<compile_context>
chip_gen: v7x
topology: tpu7x:2x2x1
jax: 0.10.2.dev20260603
libtpu: 0.0.44.dev20260713+nightly
codegen_flags: <defaults>
</compile_context>

<pallas_src>
import functools

import jax
import jax.numpy as jnp
from jax import lax
from jax.experimental import pallas as pl
from jax.experimental.pallas import tpu as pltpu
from jax.experimental.pallas import tpu_sc as plsc

N_NODES = 10000
N_EDGES = 320000
D = 128

NC = 2
NS = 16
NW = NC * NS
EPW = N_EDGES // NW
K = 128
NCHUNK = N_EDGES // K
NFULL = NCHUNK // NW
NEXTRA = NCHUNK - NFULL * NW
RPT = 624
ZR = 16


def _mul_body(feat_ref, cj_ref, h_ref):
    h_ref[...] = feat_ref[...] * cj_ref[...]


def _mul_cj(feat, cj):
    blk = 2000
    grid = N_NODES // blk
    return pl.pallas_call(
        _mul_body,
        grid=(grid,),
        in_specs=[
            pl.BlockSpec((blk, D), lambda i: (i, 0)),
            pl.BlockSpec((blk, 1), lambda i: (i, 0)),
        ],
        out_specs=pl.BlockSpec((blk, D), lambda i: (i, 0)),
        out_shape=jax.ShapeDtypeStruct((N_NODES, D), jnp.float32),
    )(feat, cj)


def _sc_body(h_hbm, eidx_hbm, out_hbm, ring, rows, zbuf, acc_sh, sem_g, sem_g2, sem_i):
    cid = lax.axis_index("c")
    sid = lax.axis_index("s")
    wid = sid * NC + cid
    nt = NFULL + jnp.where(wid < NEXTRA, 1, 0)

    def _fetch_idx(t, slot_ref):
        off = pl.multiple_of((wid + t * NW) * K, 128)
        pltpu.async_copy(eidx_hbm.at[:, pl.ds(off, K)], slot_ref, sem_i)

    KH = K // 2

    def _gather(slot, nslot_unused=None):
        del nslot_unused
        pltpu.async_copy(h_hbm.at[ring.at[slot, 0, pl.ds(0, KH)]],
                         rows.at[slot, pl.ds(0, KH)], sem_g)
        pltpu.async_copy(h_hbm.at[ring.at[slot, 0, pl.ds(KH, KH)]],
                         rows.at[slot, pl.ds(KH, KH)], sem_g2)

    def _wait_rows(slot):
        pltpu.make_async_copy(h_hbm.at[ring.at[0, 0, pl.ds(0, KH)]],
                              rows.at[slot, pl.ds(0, KH)], sem_g).wait()
        pltpu.make_async_copy(h_hbm.at[ring.at[0, 0, pl.ds(KH, KH)]],
                              rows.at[slot, pl.ds(KH, KH)], sem_g2).wait()

    def _wait_idx(slot_ref):
        pltpu.make_async_copy(eidx_hbm.at[:, pl.ds(0, K)], slot_ref, sem_i).wait()

    pltpu.sync_copy(eidx_hbm.at[:, pl.ds(pl.multiple_of(wid * K, 128), K)],
                    ring.at[0])
    _fetch_idx(1, ring.at[1])
    _gather(0)

    def _zrow(i, _):
        for j in range(D // 16):
            zbuf[i, pl.ds(j * 16, 16)] = jnp.zeros((16,), jnp.float32)
        return ()

    lax.fori_loop(0, ZR, _zrow, ())
    row0 = sid * RPT
    ncopies = jnp.where(sid == NS - 1, (N_NODES - (NS - 1) * RPT) // ZR, RPT // ZR)

    def _zero(c, _):
        r0 = pl.multiple_of(row0 + c * ZR, 8)
        pltpu.sync_copy(zbuf, acc_sh.at[pl.ds(r0, ZR)])
        return ()

    lax.fori_loop(0, ncopies, _zero, ())
    plsc.subcore_barrier()

    def _chunk(t, _):
        slot = jnp.bitwise_and(t, 1)
        nslot = 1 - slot
        _wait_rows(slot)

        @pl.when(t < nt - 1)
        def _():
            _wait_idx(ring.at[nslot])
            _gather(nslot)

        pltpu.sync_copy(rows.at[slot], acc_sh.at[ring.at[slot, 1]], add=True)

        @pl.when(t < nt - 2)
        def _():
            _fetch_idx(t + 2, ring.at[slot])

        return ()

    lax.fori_loop(0, nt, _chunk, ())
    plsc.subcore_barrier()

    r0 = pl.multiple_of(row0, 8)
    pltpu.sync_copy(acc_sh.at[pl.ds(r0, RPT)], out_hbm.at[cid, pl.ds(r0, RPT)])

    @pl.when(sid == NS - 1)
    def _():
        tail = (NS - 1) * RPT + RPT
        ntail = N_NODES - tail
        pltpu.sync_copy(acc_sh.at[pl.ds(tail, ntail)],
                        out_hbm.at[cid, pl.ds(tail, ntail)])


_sc_scatter = functools.partial(
    pl.kernel,
    out_type=jax.ShapeDtypeStruct((NC, N_NODES, D), jnp.float32),
    mesh=plsc.VectorSubcoreMesh(core_axis_name="c", subcore_axis_name="s"),
    scratch_types=[
        pltpu.VMEM((2, 2, K), jnp.int32),
        pltpu.VMEM((2, K, D), jnp.float32),
        pltpu.VMEM((ZR, D), jnp.float32),
        pltpu.VMEM_SHARED((N_NODES, D), jnp.float32),
        pltpu.SemaphoreType.DMA,
        pltpu.SemaphoreType.DMA,
        pltpu.SemaphoreType.DMA,
    ],
)(_sc_body)


def _comb_body(p_ref, w_ref, ci_ref, out_ref):
    s = p_ref[0] + p_ref[1]
    out_ref[...] = jnp.dot(
        s, w_ref[...], preferred_element_type=jnp.float32
    ) * ci_ref[...]


def _combine_mm(partials, weight, ci):
    blk = 1000
    grid = N_NODES // blk
    return pl.pallas_call(
        _comb_body,
        grid=(grid,),
        in_specs=[
            pl.BlockSpec((NC, blk, D), lambda i: (0, i, 0)),
            pl.BlockSpec((D, D), lambda i: (0, 0)),
            pl.BlockSpec((blk, 1), lambda i: (i, 0)),
        ],
        out_specs=pl.BlockSpec((blk, D), lambda i: (i, 0)),
        out_shape=jax.ShapeDtypeStruct((N_NODES, D), jnp.float32),
    )(partials, weight, ci)


def kernel(feat, edge_index, cj, ci, weight):
    h = _mul_cj(feat, cj)
    partials = _sc_scatter(h, edge_index.astype(jnp.int32))
    return _combine_mm(partials, weight, ci)

# --- scband reference (transcript-rebuilt; emitter-appended) ---
"""Pipeline reference for scband-my-graph-conv-64656437674423 (READ-ONLY COPY).

The authoritative reference and input builder live on the scoring server;
editing this copy changes nothing except your own understanding.
"""

import jax, jax.numpy as jnp
import numpy as np

N_NODES = 10000
N_EDGES = 320000
IN_FEATS = 128
OUT_FEATS = 128


def setup_inputs(seed: int = 0) -> dict:
    key = jax.random.key(seed)
    k_feat, k_edge, k_cj, k_ci, k_w = jax.random.split(key, 5)
    feat = jax.random.normal(k_feat, (N_NODES, IN_FEATS), dtype=jnp.float32)
    edge_index = jax.random.randint(k_edge, (2, N_EDGES), 0, N_NODES, dtype=jnp.int64)
    cj = jax.random.uniform(k_cj, (N_NODES, 1), dtype=jnp.float32)
    ci = jax.random.uniform(k_ci, (N_NODES, 1), dtype=jnp.float32)
    # xavier_uniform init for weight [in_feats, out_feats]
    limit = float(np.sqrt(6.0 / (IN_FEATS + OUT_FEATS)))
    weight = jax.random.uniform(k_w, (IN_FEATS, OUT_FEATS), dtype=jnp.float32, minval=-limit, maxval=limit)
    return {"feat": feat, "edge_index": edge_index, "cj": cj, "ci": ci, "weight": weight}


def reference(feat, edge_index, cj, ci, weight):
    # dot_or_identity: feat is dense 2-D -> feat @ weight
    h = feat @ weight
    # dropout_rate = 0.0 -> dropout is identity on cj
    h = h * cj  # per-src-node normalizer broadcast over features
    src = edge_index[0]
    dst = edge_index[1]
    # update_all(copy_src('h','m'), sum('m','h')) == gather from src, scatter-add to dst
    msgs = jnp.take(h, src, axis=0)  # gather [E, out_feats]
    rst = jax.ops.segment_sum(msgs, dst, num_segments=N_NODES)  # scatter-add
    rst = rst * ci  # per-dst-node normalizer
    return rst

if __name__ == "__main__":
    import jax
    _d = setup_inputs()
    print(jax.jit(kernel)(*tuple(_d.values())))

</pallas_src>

<mosaic_0001>
#map = affine_map<(d0, d1) -> (0, 0)>
#map1 = affine_map<(d0, d1) -> (0, 0, 0)>
module attributes {stable_mosaic.version = 14 : i64} {
  func.func @_sc_body(%arg0: i32, %arg1: i32, %arg2: memref<10000x128xf32, #tpu.memory_space<hbm>>, %arg3: memref<2x320000xi32, #tpu.memory_space<hbm>>, %arg4: memref<2x10000x128xf32, #tpu.memory_space<hbm>>, %arg5: memref<2x2x128xi32, #tpu.memory_space<vmem>>, %arg6: memref<2x128x128xf32, #tpu.memory_space<vmem>>, %arg7: memref<16x128xf32, #tpu.memory_space<vmem>>, %arg8: memref<10000x128xf32, #tpu.memory_space<vmem_shared>>, %arg9: memref<!tpu.dma_semaphore, #tpu.memory_space<semaphore_mem>>, %arg10: memref<!tpu.dma_semaphore, #tpu.memory_space<semaphore_mem>>, %arg11: memref<!tpu.dma_semaphore, #tpu.memory_space<semaphore_mem>>) attributes {dimension_semantics = [#tpu.dimension_semantics<core_parallel>, #tpu.dimension_semantics<subcore_parallel>], iteration_bounds = array<i64: 2, 16>, scalar_prefetch = 0 : i64, scratch_operands = 7 : i64, tpu.core_type = #tpu.core_type<sc_vector_subcore>, window_params = [{transform_indices = #map}, {transform_indices = #map}, {transform_indices = #map1}]} {
    %mul3A = arith.constant 2 : i32
    %mul3A_0 = arith.muli %arg1, %mul3A : i32
    %add3A = arith.addi %mul3A_0, %arg0 : i32
    %lt3A = arith.constant 4 : i32
    %lt3A_1 = arith.cmpi slt, %add3A, %lt3A : i32
    %jit3A = arith.constant 1 : i32
    %jit3A_2 = arith.constant 0 : i32
    %select_n3A = arith.select %lt3A_1, %jit3A, %jit3A_2 : i32
    %add3A_3 = arith.constant 78 : i32
    %add3A_4 = arith.addi %add3A_3, %select_n3A : i32
    %mul3A_5 = arith.constant 128 : i32
    %mul3A_6 = arith.muli %add3A, %mul3A_5 : i32
    %multiple_of3A = tpu.assume_multiple %mul3A_6, 128 : i32
    %run_scoped3A = arith.constant 0 : i32
    "tpu.region"() ({
      %run_scoped3A_82 = tpu.sem_alloc : memref<!tpu.dma_semaphore, #tpu.memory_space<semaphore_mem>>
      %dma_start3A_83 = arith.constant 0 : i32
      %dma_start3A_84 = arith.constant 0 : i32
      %dma_start3A_85 = tpu.memref_slice %arg5[%run_scoped3A, %dma_start3A_83, %dma_start3A_84] : memref<2x2x128xi32, #tpu.memory_space<vmem>> -> memref<1x2x128xi32, #tpu.memory_space<vmem>>
      %dma_start3A_86 = tpu.memref_squeeze %dma_start3A_85 : memref<1x2x128xi32, #tpu.memory_space<vmem>> -> memref<2x128xi32, #tpu.memory_space<vmem>>
      %dma_start3A_87 = arith.constant 0 : i32
      %dma_start3A_88 = tpu.memref_slice %arg3[%dma_start3A_87, %multiple_of3A] : memref<2x320000xi32, #tpu.memory_space<hbm>> -> memref<2x128xi32, #tpu.memory_space<hbm>>
      %dma_start3A_89 = arith.constant 0 : i32
      %dma_start3A_90 = arith.constant 0 : i32
      %dma_start3A_91 = tpu.memref_slice %arg5[%run_scoped3A, %dma_start3A_89, %dma_start3A_90] : memref<2x2x128xi32, #tpu.memory_space<vmem>> -> memref<1x2x128xi32, #tpu.memory_space<vmem>>
      %dma_start3A_92 = tpu.memref_squeeze %dma_start3A_91 : memref<1x2x128xi32, #tpu.memory_space<vmem>> -> memref<2x128xi32, #tpu.memory_space<vmem>>
      %dma_start3A_93 = arith.constant 0 : i32
      %dma_start3A_94 = tpu.memref_slice %arg3[%dma_start3A_93, %multiple_of3A] : memref<2x320000xi32, #tpu.memory_space<hbm>> -> memref<2x128xi32, #tpu.memory_space<hbm>>
      tpu.enqueue_dma source(%dma_start3A_94 : memref<2x128xi32, #tpu.memory_space<hbm>>) target(%dma_start3A_92 : memref<2x128xi32, #tpu.memory_space<vmem>>) target_semaphore(%run_scoped3A_82 : memref<!tpu.dma_semaphore, #tpu.memory_space<semaphore_mem>>)
      %dma_wait3A = arith.constant 0 : i32
      %dma_wait3A_95 = arith.constant 0 : i32
      %dma_wait3A_96 = tpu.memref_slice %arg5[%run_scoped3A, %dma_wait3A, %dma_wait3A_95] : memref<2x2x128xi32, #tpu.memory_space<vmem>> -> memref<1x2x128xi32, #tpu.memory_space<vmem>>
      %dma_wait3A_97 = tpu.memref_squeeze %dma_wait3A_96 : memref<1x2x128xi32, #tpu.memory_space<vmem>> -> memref<2x128xi32, #tpu.memory_space<vmem>>
      %dma_wait3A_98 = arith.constant 0 : i32
      %dma_wait3A_99 = tpu.memref_slice %arg3[%dma_wait3A_98, %multiple_of3A] : memref<2x320000xi32, #tpu.memory_space<hbm>> -> memref<2x128xi32, #tpu.memory_space<hbm>>
      %dma_wait3A_100 = arith.constant 0 : i32
      %dma_wait3A_101 = arith.constant 0 : i32
      %dma_wait3A_102 = tpu.memref_slice %arg5[%run_scoped3A, %dma_wait3A_100, %dma_wait3A_101] : memref<2x2x128xi32, #tpu.memory_space<vmem>> -> memref<1x2x128xi32, #tpu.memory_space<vmem>>
      %dma_wait3A_103 = tpu.memref_squeeze %dma_wait3A_102 : memref<1x2x128xi32, #tpu.memory_space<vmem>> -> memref<2x128xi32, #tpu.memory_space<vmem>>
      %dma_wait3A_104 = arith.constant 0 : i32
      %dma_wait3A_105 = tpu.memref_slice %arg3[%dma_wait3A_104, %multiple_of3A] : memref<2x320000xi32, #tpu.memory_space<hbm>> -> memref<2x128xi32, #tpu.memory_space<hbm>>
      tpu.wait_dma2 semaphore(%run_scoped3A_82 : memref<!tpu.dma_semaphore, #tpu.memory_space<semaphore_mem>>) src(%dma_wait3A_105 : memref<2x128xi32, #tpu.memory_space<hbm>>) dst(%dma_wait3A_103 : memref<2x128xi32, #tpu.memory_space<vmem>>)
      tpu.yield
    }) : () -> ()
    %add3A_7 = arith.constant 32 : i32
    %add3A_8 = arith.addi %add3A, %add3A_7 : i32
    %mul3A_9 = arith.constant 128 : i32
    %mul3A_10 = arith.muli %add3A_8, %mul3A_9 : i32
    %multiple_of3A_11 = tpu.assume_multiple %mul3A_10, 128 : i32
    %dma_start3A = arith.constant 1 : i32
    %dma_start3A_12 = arith.constant 0 : i32
    %dma_start3A_13 = arith.constant 0 : i32
    %dma_start3A_14 = tpu.memref_slice %arg5[%dma_start3A, %dma_start3A_12, %dma_start3A_13] : memref<2x2x128xi32, #tpu.memory_space<vmem>> -> memref<1x2x128xi32, #tpu.memory_space<vmem>>
    %dma_start3A_15 = tpu.memref_squeeze %dma_start3A_14 : memref<1x2x128xi32, #tpu.memory_space<vmem>> -> memref<2x128xi32, #tpu.memory_space<vmem>>
    %dma_start3A_16 = arith.constant 0 : i32
    %dma_start3A_17 = tpu.memref_slice %arg3[%dma_start3A_16, %multiple_of3A_11] : memref<2x320000xi32, #tpu.memory_space<hbm>> -> memref<2x128xi32, #tpu.memory_space<hbm>>
    %dma_start3A_18 = arith.constant 0 : i32
    %dma_start3A_19 = arith.constant 0 : i32
    %dma_start3A_20 = tpu.memref_slice %arg5[%dma_start3A, %dma_start3A_18, %dma_start3A_19] : memref<2x2x128xi32, #tpu.memory_space<vmem>> -> memref<1x2x128xi32, #tpu.memory_space<vmem>>
    %dma_start3A_21 = tpu.memref_squeeze %dma_start3A_20 : memref<1x2x128xi32, #tpu.memory_space<vmem>> -> memref<2x128xi32, #tpu.memory_space<vmem>>
    %dma_start3A_22 = arith.constant 0 : i32
    %dma_start3A_23 = tpu.memref_slice %arg3[%dma_start3A_22, %multiple_of3A_11] : memref<2x320000xi32, #tpu.memory_space<hbm>> -> memref<2x128xi32, #tpu.memory_space<hbm>>
    tpu.enqueue_dma source(%dma_start3A_23 : memref<2x128xi32, #tpu.memory_space<hbm>>) target(%dma_start3A_21 : memref<2x128xi32, #tpu.memory_space<vmem>>) target_semaphore(%arg11 : memref<!tpu.dma_semaphore, #tpu.memory_space<semaphore_mem>>)
    %dma_start3A_24 = arith.constant 0 : i32
    %dma_start3A_25 = arith.constant 0 : i32
    %dma_start3A_26 = arith.constant 0 : i32
    %dma_start3A_27 = arith.constant 0 : i32
    %dma_start3A_28 = arith.constant 0 : i32
    %dma_start3A_29 = tpu.memref_slice %arg6[%dma_start3A_26, %dma_start3A_27, %dma_start3A_28] : memref<2x128x128xf32, #tpu.memory_space<vmem>> -> memref<1x64x128xf32, #tpu.memory_space<vmem>>
    %dma_start3A_30 = tpu.memref_squeeze %dma_start3A_29 : memref<1x64x128xf32, #tpu.memory_space<vmem>> -> memref<64x128xf32, #tpu.memory_space<vmem>>
    %dma_start3A_31 = arith.constant 0 : i32
    %dma_start3A_32 = tpu.memref_slice %arg5[%dma_start3A_24, %dma_start3A_25, %dma_start3A_31] : memref<2x2x128xi32, #tpu.memory_space<vmem>> -> memref<1x1x64xi32, #tpu.memory_space<vmem>>
    %dma_start3A_33 = tpu.memref_squeeze %dma_start3A_32 : memref<1x1x64xi32, #tpu.memory_space<vmem>> -> memref<64xi32, #tpu.memory_space<vmem>>
    %dma_start3A_34 = arith.constant 0 : i32
    %dma_start3A_35 = arith.constant 0 : i32
    %dma_start3A_36 = tpu.memref_slice %arg2[%dma_start3A_34, %dma_start3A_35] : memref<10000x128xf32, #tpu.memory_space<hbm>> -> memref<10000x128xf32, #tpu.memory_space<hbm>>
    tpu.enqueue_indirect_dma source(%dma_start3A_36 : memref<10000x128xf32, #tpu.memory_space<hbm>>) target(%dma_start3A_30 : memref<64x128xf32, #tpu.memory_space<vmem>>) offsets(%dma_start3A_33 : memref<64xi32, #tpu.memory_space<vmem>>) semaphore(%arg9 : memref<!tpu.dma_semaphore, #tpu.memory_space<semaphore_mem>>)
    %dma_start3A_37 = arith.constant 0 : i32
    %dma_start3A_38 = arith.constant 0 : i32
    %dma_start3A_39 = arith.constant 0 : i32
    %dma_start3A_40 = arith.constant 64 : i32
    %dma_start3A_41 = arith.constant 0 : i32
    %dma_start3A_42 = tpu.memref_slice %arg6[%dma_start3A_39, %dma_start3A_40, %dma_start3A_41] : memref<2x128x128xf32, #tpu.memory_space<vmem>> -> memref<1x64x128xf32, #tpu.memory_space<vmem>>
    %dma_start3A_43 = tpu.memref_squeeze %dma_start3A_42 : memref<1x64x128xf32, #tpu.memory_space<vmem>> -> memref<64x128xf32, #tpu.memory_space<vmem>>
    %dma_start3A_44 = arith.constant 64 : i32
    %dma_start3A_45 = tpu.memref_slice %arg5[%dma_start3A_37, %dma_start3A_38, %dma_start3A_44] : memref<2x2x128xi32, #tpu.memory_space<vmem>> -> memref<1x1x64xi32, #tpu.memory_space<vmem>>
    %dma_start3A_46 = tpu.memref_squeeze %dma_start3A_45 : memref<1x1x64xi32, #tpu.memory_space<vmem>> -> memref<64xi32, #tpu.memory_space<vmem>>
    %dma_start3A_47 = arith.constant 0 : i32
    %dma_start3A_48 = arith.constant 0 : i32
    %dma_start3A_49 = tpu.memref_slice %arg2[%dma_start3A_47, %dma_start3A_48] : memref<10000x128xf32, #tpu.memory_space<hbm>> -> memref<10000x128xf32, #tpu.memory_space<hbm>>
    tpu.enqueue_indirect_dma source(%dma_start3A_49 : memref<10000x128xf32, #tpu.memory_space<hbm>>) target(%dma_start3A_43 : memref<64x128xf32, #tpu.memory_space<vmem>>) offsets(%dma_start3A_46 : memref<64xi32, #tpu.memory_space<vmem>>) semaphore(%arg10 : memref<!tpu.dma_semaphore, #tpu.memory_space<semaphore_mem>>)
    %scan3A = arith.constant 0 : i32
    %scan3A_50 = arith.constant 16 : i32
    %scan3A_51 = arith.addi %scan3A, %scan3A_50 : i32
    %scan3A_52 = arith.constant 1 : i32
    scf.for %scan3A_82 = %scan3A to %scan3A_51 step %scan3A_52  : i32 {
      %broadcast_in_dim3A = arith.constant 0.000000e+00 : f32
      %broadcast_in_dim3A_83 = vector.broadcast %broadcast_in_dim3A : f32 to vector<16xf32>
      %swap3A = arith.index_cast %scan3A_82 : i32 to index
      %swap3A_84 = arith.constant 0 : index
      %swap3A_85 = tpu.vector_load %arg7[%swap3A, %swap3A_84] {strides = array<i32>} : memref<16x128xf32, #tpu.memory_space<vmem>>, vector<1x16xf32>,
      %swap3A_86 = vector.shape_cast %swap3A_85 : vector<1x16xf32> to vector<16xf32>
      %swap3A_87 = vector.shape_cast %broadcast_in_dim3A_83 : vector<16xf32> to vector<1x16xf32>
      tpu.vector_store %arg7[%swap3A, %swap3A_84], %swap3A_87 {strides = array<i32>} : memref<16x128xf32, #tpu.memory_space<vmem>>, vector<1x16xf32>,
      %broadcast_in_dim3A_88 = arith.constant 0.000000e+00 : f32
      %broadcast_in_dim3A_89 = vector.broadcast %broadcast_in_dim3A_88 : f32 to vector<16xf32>
      %swap3A_90 = arith.index_cast %scan3A_82 : i32 to index
      %swap3A_91 = arith.constant 16 : index
      %swap3A_92 = tpu.vector_load %arg7[%swap3A_90, %swap3A_91] {strides = array<i32>} : memref<16x128xf32, #tpu.memory_space<vmem>>, vector<1x16xf32>,
      %swap3A_93 = vector.shape_cast %swap3A_92 : vector<1x16xf32> to vector<16xf32>
      %swap3A_94 = vector.shape_cast %broadcast_in_dim3A_89 : vector<16xf32> to vector<1x16xf32>
      tpu.vector_store %arg7[%swap3A_90, %swap3A_91], %swap3A_94 {strides = array<i32>} : memref<16x128xf32, #tpu.memory_space<vmem>>, vector<1x16xf32>,
      %broadcast_in_dim3A_95 = arith.constant 0.000000e+00 : f32
      %broadcast_in_dim3A_96 = vector.broadcast %broadcast_in_dim3A_95 : f32 to vector<16xf32>
      %swap3A_97 = arith.index_cast %scan3A_82 : i32 to index
      %swap3A_98 = arith.constant 32 : index
      %swap3A_99 = tpu.vector_load %arg7[%swap3A_97, %swap3A_98] {strides = array<i32>} : memref<16x128xf32, #tpu.memory_space<vmem>>, vector<1x16xf32>,
      %swap3A_100 = vector.shape_cast %swap3A_99 : vector<1x16xf32> to vector<16xf32>
      %swap3A_101 = vector.shape_cast %broadcast_in_dim3A_96 : vector<16xf32> to vector<1x16xf32>
      tpu.vector_store %arg7[%swap3A_97, %swap3A_98], %swap3A_101 {strides = array<i32>} : memref<16x128xf32, #tpu.memory_space<vmem>>, vector<1x16xf32>,
      %broadcast_in_dim3A_102 = arith.constant 0.000000e+00 : f32
      %broadcast_in_dim3A_103 = vector.broadcast %broadcast_in_dim3A_102 : f32 to vector<16xf32>
      %swap3A_104 = arith.index_cast %scan3A_82 : i32 to index
      %swap3A_105 = arith.constant 48 : index
      %swap3A_106 = tpu.vector_load %arg7[%swap3A_104, %swap3A_105] {strides = array<i32>} : memref<16x128xf32, #tpu.memory_space<vmem>>, vector<1x16xf32>,
      %swap3A_107 = vector.shape_cast %swap3A_106 : vector<1x16xf32> to vector<16xf32>
      %swap3A_108 = vector.shape_cast %broadcast_in_dim3A_103 : vector<16xf32> to vector<1x16xf32>
      tpu.vector_store %arg7[%swap3A_104, %swap3A_105], %swap3A_108 {strides = array<i32>} : memref<16x128xf32, #tpu.memory_space<vmem>>, vector<1x16xf32>,
      %broadcast_in_dim3A_109 = arith.constant 0.000000e+00 : f32
      %broadcast_in_dim3A_110 = vector.broadcast %broadcast_in_dim3A_109 : f32 to vector<16xf32>
      %swap3A_111 = arith.index_cast %scan3A_82 : i32 to index
      %swap3A_112 = arith.constant 64 : index
      %swap3A_113 = tpu.vector_load %arg7[%swap3A_111, %swap3A_112] {strides = array<i32>} : memref<16x128xf32, #tpu.memory_space<vmem>>, vector<1x16xf32>,
      %swap3A_114 = vector.shape_cast %swap3A_113 : vector<1x16xf32> to vector<16xf32>
      %swap3A_115 = vector.shape_cast %broadcast_in_dim3A_110 : vector<16xf32> to vector<1x16xf32>
      tpu.vector_store %arg7[%swap3A_111, %swap3A_112], %swap3A_115 {strides = array<i32>} : memref<16x128xf32, #tpu.memory_space<vmem>>, vector<1x16xf32>,
      %broadcast_in_dim3A_116 = arith.constant 0.000000e+00 : f32
      %broadcast_in_dim3A_117 = vector.broadcast %broadcast_in_dim3A_116 : f32 to vector<16xf32>
      %swap3A_118 = arith.index_cast %scan3A_82 : i32 to index
      %swap3A_119 = arith.constant 80 : index
      %swap3A_120 = tpu.vector_load %arg7[%swap3A_118, %swap3A_119] {strides = array<i32>} : memref<16x128xf32, #tpu.memory_space<vmem>>, vector<1x16xf32>,
      %swap3A_121 = vector.shape_cast %swap3A_120 : vector<1x16xf32> to vector<16xf32>
      %swap3A_122 = vector.shape_cast %broadcast_in_dim3A_117 : vector<16xf32> to vector<1x16xf32>
      tpu.vector_store %arg7[%swap3A_118, %swap3A_119], %swap3A_122 {strides = array<i32>} : memref<16x128xf32, #tpu.memory_space<vmem>>, vector<1x16xf32>,
      %broadcast_in_dim3A_123 = arith.constant 0.000000e+00 : f32
      %broadcast_in_dim3A_124 = vector.broadcast %broadcast_in_dim3A_123 : f32 to vector<16xf32>
      %swap3A_125 = arith.index_cast %scan3A_82 : i32 to index
      %swap3A_126 = arith.constant 96 : index
      %swap3A_127 = tpu.vector_load %arg7[%swap3A_125, %swap3A_126] {strides = array<i32>} : memref<16x128xf32, #tpu.memory_space<vmem>>, vector<1x16xf32>,
      %swap3A_128 = vector.shape_cast %swap3A_127 : vector<1x16xf32> to vector<16xf32>
      %swap3A_129 = vector.shape_cast %broadcast_in_dim3A_124 : vector<16xf32> to vector<1x16xf32>
      tpu.vector_store %arg7[%swap3A_125, %swap3A_126], %swap3A_129 {strides = array<i32>} : memref<16x128xf32, #tpu.memory_space<vmem>>, vector<1x16xf32>,
      %broadcast_in_dim3A_130 = arith.constant 0.000000e+00 : f32
      %broadcast_in_dim3A_131 = vector.broadcast %broadcast_in_dim3A_130 : f32 to vector<16xf32>
      %swap3A_132 = arith.index_cast %scan3A_82 : i32 to index
      %swap3A_133 = arith.constant 112 : index
      %swap3A_134 = tpu.vector_load %arg7[%swap3A_132, %swap3A_133] {strides = array<i32>} : memref<16x128xf32, #tpu.memory_space<vmem>>, vector<1x16xf32>,
      %swap3A_135 = vector.shape_cast %swap3A_134 : vector<1x16xf32> to vector<16xf32>
      %swap3A_136 = vector.shape_cast %broadcast_in_dim3A_131 : vector<16xf32> to vector<1x16xf32>
      tpu.vector_store %arg7[%swap3A_132, %swap3A_133], %swap3A_136 {strides = array<i32>} : memref<16x128xf32, #tpu.memory_space<vmem>>, vector<1x16xf32>,
    }
    %scan3A_53 = arith.constant 16 : i32
    %mul3A_54 = arith.constant 624 : i32
    %mul3A_55 = arith.muli %arg1, %mul3A_54 : i32
    %eq3A = arith.constant 15 : i32
    %eq3A_56 = arith.cmpi eq, %arg1, %eq3A : i32
    %jit3A_57 = arith.constant 40 : i32
    %jit3A_58 = arith.constant 39 : i32
    %select_n3A_59 = arith.select %eq3A_56, %jit3A_57, %jit3A_58 : i32
    %while3A = arith.constant 0 : i32
    %while3A_60 = arith.subi %select_n3A_59, %while3A : i32
    %while3A_61 = arith.addi %while3A, %while3A_60 : i32
    %while3A_62 = arith.constant 1 : i32
    %while3A_63 = arith.divsi %while3A_60, %while3A_62 : i32
    %while3A_64 = arith.muli %while3A_63, %while3A_62 : i32
    %while3A_65 = arith.addi %while3A, %while3A_64 : i32
    %while3A_66 = arith.constant 1 : i32
    scf.for %while3A_82 = %while3A to %while3A_65 step %while3A_66  : i32 {
      %mul3A_83 = arith.constant 16 : i32
      %mul3A_84 = arith.muli %while3A_82, %mul3A_83 : i32
      %add3A_85 = arith.addi %mul3A_55, %mul3A_84 : i32
      %multiple_of3A_86 = tpu.assume_multiple %add3A_85, 8 : i32
      "tpu.region"() ({
        %run_scoped3A_87 = tpu.sem_alloc : memref<!tpu.dma_semaphore, #tpu.memory_space<semaphore_mem>>
        %dma_start3A_88 = arith.constant 0 : i32
        %dma_start3A_89 = tpu.memref_slice %arg8[%multiple_of3A_86, %dma_start3A_88] : memref<10000x128xf32, #tpu.memory_space<vmem_shared>> -> memref<16x128xf32, #tpu.memory_space<vmem_shared>>
        %dma_start3A_90 = arith.constant 0 : i32
        %dma_start3A_91 = tpu.memref_slice %arg8[%multiple_of3A_86, %dma_start3A_90] : memref<10000x128xf32, #tpu.memory_space<vmem_shared>> -> memref<16x128xf32, #tpu.memory_space<vmem_shared>>
        tpu.enqueue_dma source(%arg7 : memref<16x128xf32, #tpu.memory_space<vmem>>) target(%dma_start3A_91 : memref<16x128xf32, #tpu.memory_space<vmem_shared>>) target_semaphore(%run_scoped3A_87 : memref<!tpu.dma_semaphore, #tpu.memory_space<semaphore_mem>>)
        %dma_wait3A = arith.constant 0 : i32
        %dma_wait3A_92 = tpu.memref_slice %arg8[%multiple_of3A_86, %dma_wait3A] : memref<10000x128xf32, #tpu.memory_space<vmem_shared>> -> memref<16x128xf32, #tpu.memory_space<vmem_shared>>
        %dma_wait3A_93 = arith.constant 0 : i32
        %dma_wait3A_94 = tpu.memref_slice %arg8[%multiple_of3A_86, %dma_wait3A_93] : memref<10000x128xf32, #tpu.memory_space<vmem_shared>> -> memref<16x128xf32, #tpu.memory_space<vmem_shared>>
        tpu.wait_dma2 semaphore(%run_scoped3A_87 : memref<!tpu.dma_semaphore, #tpu.memory_space<semaphore_mem>>) src(%arg7 : memref<16x128xf32, #tpu.memory_space<vmem>>) dst(%dma_wait3A_94 : memref<16x128xf32, #tpu.memory_space<vmem_shared>>)
        tpu.yield
      }) : () -> ()
    }
    %while3A_67 = arith.constant 1 : i32
    scf.for %while3A_82 = %while3A_65 to %while3A_61 step %while3A_67  : i32 {
      %mul3A_83 = arith.constant 16 : i32
      %mul3A_84 = arith.muli %while3A_82, %mul3A_83 : i32
      %add3A_85 = arith.addi %mul3A_55, %mul3A_84 : i32
      %multiple_of3A_86 = tpu.assume_multiple %add3A_85, 8 : i32
      "tpu.region"() ({
        %run_scoped3A_87 = tpu.sem_alloc : memref<!tpu.dma_semaphore, #tpu.memory_space<semaphore_mem>>
        %dma_start3A_88 = arith.constant 0 : i32
        %dma_start3A_89 = tpu.memref_slice %arg8[%multiple_of3A_86, %dma_start3A_88] : memref<10000x128xf32, #tpu.memory_space<vmem_shared>> -> memref<16x128xf32, #tpu.memory_space<vmem_shared>>
        %dma_start3A_90 = arith.constant 0 : i32
        %dma_start3A_91 = tpu.memref_slice %arg8[%multiple_of3A_86, %dma_start3A_90] : memref<10000x128xf32, #tpu.memory_space<vmem_shared>> -> memref<16x128xf32, #tpu.memory_space<vmem_shared>>
        tpu.enqueue_dma source(%arg7 : memref<16x128xf32, #tpu.memory_space<vmem>>) target(%dma_start3A_91 : memref<16x128xf32, #tpu.memory_space<vmem_shared>>) target_semaphore(%run_scoped3A_87 : memref<!tpu.dma_semaphore, #tpu.memory_space<semaphore_mem>>)
        %dma_wait3A = arith.constant 0 : i32
        %dma_wait3A_92 = tpu.memref_slice %arg8[%multiple_of3A_86, %dma_wait3A] : memref<10000x128xf32, #tpu.memory_space<vmem_shared>> -> memref<16x128xf32, #tpu.memory_space<vmem_shared>>
        %dma_wait3A_93 = arith.constant 0 : i32
        %dma_wait3A_94 = tpu.memref_slice %arg8[%multiple_of3A_86, %dma_wait3A_93] : memref<10000x128xf32, #tpu.memory_space<vmem_shared>> -> memref<16x128xf32, #tpu.memory_space<vmem_shared>>
        tpu.wait_dma2 semaphore(%run_scoped3A_87 : memref<!tpu.dma_semaphore, #tpu.memory_space<semaphore_mem>>) src(%arg7 : memref<16x128xf32, #tpu.memory_space<vmem>>) dst(%dma_wait3A_94 : memref<16x128xf32, #tpu.memory_space<vmem_shared>>)
        tpu.yield
      }) : () -> ()
    }
    %barrier3A = arith.constant 0 : index
    tpu.barrier barrier_id(%barrier3A)
    %while3A_68 = arith.constant 0 : i32
    %while3A_69 = arith.subi %add3A_4, %while3A_68 : i32
    %while3A_70 = arith.addi %while3A_68, %while3A_69 : i32
    %while3A_71 = arith.constant 1 : i32
    %while3A_72 = arith.divsi %while3A_69, %while3A_71 : i32
    %while3A_73 = arith.muli %while3A_72, %while3A_71 : i32
    %while3A_74 = arith.addi %while3A_68, %while3A_73 : i32
    %while3A_75 = arith.constant 1 : i32
    scf.for %while3A_82 = %while3A_68 to %while3A_74 step %while3A_75  : i32 {
      %and3A = arith.constant 1 : i32
      %and3A_83 = arith.andi %while3A_82, %and3A : i32
      %sub3A = arith.constant 1 : i32
      %sub3A_84 = arith.subi %sub3A, %and3A_83 : i32
      %dma_wait3A = arith.constant 0 : i32
      %dma_wait3A_85 = arith.constant 0 : i32
      %dma_wait3A_86 = arith.constant 0 : i32
      %dma_wait3A_87 = arith.constant 0 : i32
      %dma_wait3A_88 = tpu.memref_slice %arg6[%and3A_83, %dma_wait3A_86, %dma_wait3A_87] : memref<2x128x128xf32, #tpu.memory_space<vmem>> -> memref<1x64x128xf32, #tpu.memory_space<vmem>>
      %dma_wait3A_89 = tpu.memref_squeeze %dma_wait3A_88 : memref<1x64x128xf32, #tpu.memory_space<vmem>> -> memref<64x128xf32, #tpu.memory_space<vmem>>
      %dma_wait3A_90 = arith.constant 0 : i32
      %dma_wait3A_91 = tpu.memref_slice %arg5[%dma_wait3A, %dma_wait3A_85, %dma_wait3A_90] : memref<2x2x128xi32, #tpu.memory_space<vmem>> -> memref<1x1x64xi32, #tpu.memory_space<vmem>>
      %dma_wait3A_92 = tpu.memref_squeeze %dma_wait3A_91 : memref<1x1x64xi32, #tpu.memory_space<vmem>> -> memref<64xi32, #tpu.memory_space<vmem>>
      %dma_wait3A_93 = arith.constant 0 : i32
      %dma_wait3A_94 = arith.constant 0 : i32
      %dma_wait3A_95 = tpu.memref_slice %arg2[%dma_wait3A_93, %dma_wait3A_94] : memref<10000x128xf32, #tpu.memory_space<hbm>> -> memref<10000x128xf32, #tpu.memory_space<hbm>>
      tpu.wait_indirect_dma semaphore(%arg9 : memref<!tpu.dma_semaphore, #tpu.memory_space<semaphore_mem>>) src(%dma_wait3A_95 : memref<10000x128xf32, #tpu.memory_space<hbm>>) dst(%dma_wait3A_89 : memref<64x128xf32, #tpu.memory_space<vmem>>)
      %dma_wait3A_96 = arith.constant 0 : i32
      %dma_wait3A_97 = arith.constant 0 : i32
      %dma_wait3A_98 = arith.constant 64 : i32
      %dma_wait3A_99 = arith.constant 0 : i32
      %dma_wait3A_100 = tpu.memref_slice %arg6[%and3A_83, %dma_wait3A_98, %dma_wait3A_99] : memref<2x128x128xf32, #tpu.memory_space<vmem>> -> memref<1x64x128xf32, #tpu.memory_space<vmem>>
      %dma_wait3A_101 = tpu.memref_squeeze %dma_wait3A_100 : memref<1x64x128xf32, #tpu.memory_space<vmem>> -> memref<64x128xf32, #tpu.memory_space<vmem>>
      %dma_wait3A_102 = arith.constant 64 : i32
      %dma_wait3A_103 = tpu.memref_slice %arg5[%dma_wait3A_96, %dma_wait3A_97, %dma_wait3A_102] : memref<2x2x128xi32, #tpu.memory_space<vmem>> -> memref<1x1x64xi32, #tpu.memory_space<vmem>>
      %dma_wait3A_104 = tpu.memref_squeeze %dma_wait3A_103 : memref<1x1x64xi32, #tpu.memory_space<vmem>> -> memref<64xi32, #tpu.memory_space<vmem>>
      %dma_wait3A_105 = arith.constant 0 : i32
      %dma_wait3A_106 = arith.constant 0 : i32
      %dma_wait3A_107 = tpu.memref_slice %arg2[%dma_wait3A_105, %dma_wait3A_106] : memref<10000x128xf32, #tpu.memory_space<hbm>> -> memref<10000x128xf32, #tpu.memory_space<hbm>>
      tpu.wait_indirect_dma semaphore(%arg10 : memref<!tpu.dma_semaphore, #tpu.memory_space<semaphore_mem>>) src(%dma_wait3A_107 : memref<10000x128xf32, #tpu.memory_space<hbm>>) dst(%dma_wait3A_101 : memref<64x128xf32, #tpu.memory_space<vmem>>)
      %sub3A_108 = arith.constant 1 : i32
      %sub3A_109 = arith.subi %add3A_4, %sub3A_108 : i32
      %lt3A_110 = arith.cmpi slt, %while3A_82, %sub3A_109 : i32
      %convert_element_type3A_111 = arith.extui %lt3A_110 : i1 to i32
      %cond3A_112 = arith.constant 0 : i32
      %cond3A_113 = arith.cmpi ne, %convert_element_type3A_111, %cond3A_112 : i32
      scf.if %cond3A_113 {
        %dma_wait3A_121 = arith.constant 0 : i32
        %dma_wait3A_122 = arith.constant 0 : i32
        %dma_wait3A_123 = tpu.memref_slice %arg5[%sub3A_84, %dma_wait3A_121, %dma_wait3A_122] : memref<2x2x128xi32, #tpu.memory_space<vmem>> -> memref<1x2x128xi32, #tpu.memory_space<vmem>>
        %dma_wait3A_124 = tpu.memref_squeeze %dma_wait3A_123 : memref<1x2x128xi32, #tpu.memory_space<vmem>> -> memref<2x128xi32, #tpu.memory_space<vmem>>
        %dma_wait3A_125 = arith.constant 0 : i32
        %dma_wait3A_126 = arith.constant 0 : i32
        %dma_wait3A_127 = tpu.memref_slice %arg3[%dma_wait3A_125, %dma_wait3A_126] : memref<2x320000xi32, #tpu.memory_space<hbm>> -> memref<2x128xi32, #tpu.memory_space<hbm>>
        %dma_wait3A_128 = arith.constant 0 : i32
        %dma_wait3A_129 = arith.constant 0 : i32
        %dma_wait3A_130 = tpu.memref_slice %arg5[%sub3A_84, %dma_wait3A_128, %dma_wait3A_129] : memref<2x2x128xi32, #tpu.memory_space<vmem>> -> memref<1x2x128xi32, #tpu.memory_space<vmem>>
        %dma_wait3A_131 = tpu.memref_squeeze %dma_wait3A_130 : memref<1x2x128xi32, #tpu.memory_space<vmem>> -> memref<2x128xi32, #tpu.memory_space<vmem>>
        %dma_wait3A_132 = arith.constant 0 : i32
        %dma_wait3A_133 = arith.constant 0 : i32
        %dma_wait3A_134 = tpu.memref_slice %arg3[%dma_wait3A_132, %dma_wait3A_133] : memref<2x320000xi32, #tpu.memory_space<hbm>> -> memref<2x128xi32, #tpu.memory_space<hbm>>
        tpu.wait_dma2 semaphore(%arg11 : memref<!tpu.dma_semaphore, #tpu.memory_space<semaphore_mem>>) src(%dma_wait3A_134 : memref<2x128xi32, #tpu.memory_space<hbm>>) dst(%dma_wait3A_131 : memref<2x128xi32, #tpu.memory_space<vmem>>)
        %dma_start3A_135 = arith.constant 0 : i32
        %dma_start3A_136 = arith.constant 0 : i32
        %dma_start3A_137 = arith.constant 0 : i32
        %dma_start3A_138 = tpu.memref_slice %arg6[%sub3A_84, %dma_start3A_136, %dma_start3A_137] : memref<2x128x128xf32, #tpu.memory_space<vmem>> -> memref<1x64x128xf32, #tpu.memory_space<vmem>>
        %dma_start3A_139 = tpu.memref_squeeze %dma_start3A_138 : memref<1x64x128xf32, #tpu.memory_space<vmem>> -> memref<64x128xf32, #tpu.memory_space<vmem>>
        %dma_start3A_140 = arith.constant 0 : i32
        %dma_start3A_141 = tpu.memref_slice %arg5[%sub3A_84, %dma_start3A_135, %dma_start3A_140] : memref<2x2x128xi32, #tpu.memory_space<vmem>> -> memref<1x1x64xi32, #tpu.memory_space<vmem>>
        %dma_start3A_142 = tpu.memref_squeeze %dma_start3A_141 : memref<1x1x64xi32, #tpu.memory_space<vmem>> -> memref<64xi32, #tpu.memory_space<vmem>>
        %dma_start3A_143 = arith.constant 0 : i32
        %dma_start3A_144 = arith.constant 0 : i32
        %dma_start3A_145 = tpu.memref_slice %arg2[%dma_start3A_143, %dma_start3A_144] : memref<10000x128xf32, #tpu.memory_space<hbm>> -> memref<10000x128xf32, #tpu.memory_space<hbm>>
        tpu.enqueue_indirect_dma source(%dma_start3A_145 : memref<10000x128xf32, #tpu.memory_space<hbm>>) target(%dma_start3A_139 : memref<64x128xf32, #tpu.memory_space<vmem>>) offsets(%dma_start3A_142 : memref<64xi32, #tpu.memory_space<vmem>>) semaphore(%arg9 : memref<!tpu.dma_semaphore, #tpu.memory_space<semaphore_mem>>)
        %dma_start3A_146 = arith.constant 0 : i32
        %dma_start3A_147 = arith.constant 64 : i32
        %dma_start3A_148 = arith.constant 0 : i32
        %dma_start3A_149 = tpu.memref_slice %arg6[%sub3A_84, %dma_start3A_147, %dma_start3A_148] : memref<2x128x128xf32, #tpu.memory_space<vmem>> -> memref<1x64x128xf32, #tpu.memory_space<vmem>>
        %dma_start3A_150 = tpu.memref_squeeze %dma_start3A_149 : memref<1x64x128xf32, #tpu.memory_space<vmem>> -> memref<64x128xf32, #tpu.memory_space<vmem>>
        %dma_start3A_151 = arith.constant 64 : i32
        %dma_start3A_152 = tpu.memref_slice %arg5[%sub3A_84, %dma_start3A_146, %dma_start3A_151] : memref<2x2x128xi32, #tpu.memory_space<vmem>> -> memref<1x1x64xi32, #tpu.memory_space<vmem>>
        %dma_start3A_153 = tpu.memref_squeeze %dma_start3A_152 : memref<1x1x64xi32, #tpu.memory_space<vmem>> -> memref<64xi32, #tpu.memory_space<vmem>>
        %dma_start3A_154 = arith.constant 0 : i32
        %dma_start3A_155 = arith.constant 0 : i32
        %dma_start3A_156 = tpu.memref_slice %arg2[%dma_start3A_154, %dma_start3A_155] : memref<10000x128xf32, #tpu.memory_space<hbm>> -> memref<10000x128xf32, #tpu.memory_space<hbm>>
        tpu.enqueue_indirect_dma source(%dma_start3A_156 : memref<10000x128xf32, #tpu.memory_space<hbm>>) target(%dma_start3A_150 : memref<64x128xf32, #tpu.memory_space<vmem>>) offsets(%dma_start3A_153 : memref<64xi32, #tpu.memory_space<vmem>>) semaphore(%arg10 : memref<!tpu.dma_semaphore, #tpu.memory_space<semaphore_mem>>)
      } else {
      }
      %run_scoped3A_114 = arith.constant 1 : i32
      "tpu.region"() ({
        %run_scoped3A_121 = tpu.sem_alloc : memref<!tpu.dma_semaphore, #tpu.memory_space<semaphore_mem>>
        %dma_start3A_122 = arith.constant 0 : i32
        %dma_start3A_123 = arith.constant 0 : i32
        %dma_start3A_124 = tpu.memref_slice %arg6[%and3A_83, %dma_start3A_122, %dma_start3A_123] : memref<2x128x128xf32, #tpu.memory_space<vmem>> -> memref<1x128x128xf32, #tpu.memory_space<vmem>>
        %dma_start3A_125 = tpu.memref_squeeze %dma_start3A_124 : memref<1x128x128xf32, #tpu.memory_space<vmem>> -> memref<128x128xf32, #tpu.memory_space<vmem>>
        %dma_start3A_126 = arith.constant 0 : i32
        %dma_start3A_127 = tpu.memref_slice %arg5[%and3A_83, %run_scoped3A_114, %dma_start3A_126] : memref<2x2x128xi32, #tpu.memory_space<vmem>> -> memref<1x1x128xi32, #tpu.memory_space<vmem>>
        %dma_start3A_128 = tpu.memref_squeeze %dma_start3A_127 : memref<1x1x128xi32, #tpu.memory_space<vmem>> -> memref<128xi32, #tpu.memory_space<vmem>>
        %dma_start3A_129 = arith.constant 0 : i32
        %dma_start3A_130 = arith.constant 0 : i32
        %dma_start3A_131 = tpu.memref_slice %arg8[%dma_start3A_129, %dma_start3A_130] : memref<10000x128xf32, #tpu.memory_space<vmem_shared>> -> memref<10000x128xf32, #tpu.memory_space<vmem_shared>>
        tpu.enqueue_indirect_dma source(%dma_start3A_125 : memref<128x128xf32, #tpu.memory_space<vmem>>) target(%dma_start3A_131 : memref<10000x128xf32, #tpu.memory_space<vmem_shared>>) offsets(%dma_start3A_128 : memref<128xi32, #tpu.memory_space<vmem>>) semaphore(%run_scoped3A_121 : memref<!tpu.dma_semaphore, #tpu.memory_space<semaphore_mem>>) {add = true}
        %dma_wait3A_132 = arith.constant 0 : i32
        %dma_wait3A_133 = arith.constant 0 : i32
        %dma_wait3A_134 = tpu.memref_slice %arg6[%and3A_83, %dma_wait3A_132, %dma_wait3A_133] : memref<2x128x128xf32, #tpu.memory_space<vmem>> -> memref<1x128x128xf32, #tpu.memory_space<vmem>>
        %dma_wait3A_135 = tpu.memref_squeeze %dma_wait3A_134 : memref<1x128x128xf32, #tpu.memory_space<vmem>> -> memref<128x128xf32, #tpu.memory_space<vmem>>
        %dma_wait3A_136 = arith.constant 0 : i32
        %dma_wait3A_137 = tpu.memref_slice %arg5[%and3A_83, %run_scoped3A_114, %dma_wait3A_136] : memref<2x2x128xi32, #tpu.memory_space<vmem>> -> memref<1x1x128xi32, #tpu.memory_space<vmem>>
        %dma_wait3A_138 = tpu.memref_squeeze %dma_wait3A_137 : memref<1x1x128xi32, #tpu.memory_space<vmem>> -> memref<128xi32, #tpu.memory_space<vmem>>
        %dma_wait3A_139 = arith.constant 0 : i32
        %dma_wait3A_140 = arith.constant 0 : i32
        %dma_wait3A_141 = tpu.memref_slice %arg8[%dma_wait3A_139, %dma_wait3A_140] : memref<10000x128xf32, #tpu.memory_space<vmem_shared>> -> memref<10000x128xf32, #tpu.memory_space<vmem_shared>>
        tpu.wait_indirect_dma semaphore(%run_scoped3A_121 : memref<!tpu.dma_semaphore, #tpu.memory_space<semaphore_mem>>) src(%dma_wait3A_135 : memref<128x128xf32, #tpu.memory_space<vmem>>) dst(%dma_wait3A_141 : memref<10000x128xf32, #tpu.memory_space<vmem_shared>>)
        tpu.yield
      }) : () -> ()
      %sub3A_115 = arith.constant 2 : i32
      %sub3A_116 = arith.subi %add3A_4, %sub3A_115 : i32
      %lt3A_117 = arith.cmpi slt, %while3A_82, %sub3A_116 : i32
      %convert_element_type3A_118 = arith.extui %lt3A_117 : i1 to i32
      %cond3A_119 = arith.constant 0 : i32
      %cond3A_120 = arith.cmpi ne, %convert_element_type3A_118, %cond3A_119 : i32
      scf.if %cond3A_120 {
        %add3A_121 = arith.constant 2 : i32
        %add3A_122 = arith.addi %while3A_82, %add3A_121 : i32
        %mul3A_123 = arith.constant 32 : i32
        %mul3A_124 = arith.muli %add3A_122, %mul3A_123 : i32
        %add3A_125 = arith.addi %add3A, %mul3A_124 : i32
        %mul3A_126 = arith.constant 128 : i32
        %mul3A_127 = arith.muli %add3A_125, %mul3A_126 : i32
        %multiple_of3A_128 = tpu.assume_multiple %mul3A_127, 128 : i32
        %dma_start3A_129 = arith.constant 0 : i32
        %dma_start3A_130 = arith.constant 0 : i32
        %dma_start3A_131 = tpu.memref_slice %arg5[%and3A_83, %dma_start3A_129, %dma_start3A_130] : memref<2x2x128xi32, #tpu.memory_space<vmem>> -> memref<1x2x128xi32, #tpu.memory_space<vmem>>
        %dma_start3A_132 = tpu.memref_squeeze %dma_start3A_131 : memref<1x2x128xi32, #tpu.memory_space<vmem>> -> memref<2x128xi32, #tpu.memory_space<vmem>>
        %dma_start3A_133 = arith.constant 0 : i32
        %dma_start3A_134 = tpu.memref_slice %arg3[%dma_start3A_133, %multiple_of3A_128] : memref<2x320000xi32, #tpu.memory_space<hbm>> -> memref<2x128xi32, #tpu.memory_space<hbm>>
        %dma_start3A_135 = arith.constant 0 : i32
        %dma_start3A_136 = arith.constant 0 : i32
        %dma_start3A_137 = tpu.memref_slice %arg5[%and3A_83, %dma_start3A_135, %dma_start3A_136] : memref<2x2x128xi32, #tpu.memory_space<vmem>> -> memref<1x2x128xi32, #tpu.memory_space<vmem>>
        %dma_start3A_138 = tpu.memref_squeeze %dma_start3A_137 : memref<1x2x128xi32, #tpu.memory_space<vmem>> -> memref<2x128xi32, #tpu.memory_space<vmem>>
        %dma_start3A_139 = arith.constant 0 : i32
        %dma_start3A_140 = tpu.memref_slice %arg3[%dma_start3A_139, %multiple_of3A_128] : memref<2x320000xi32, #tpu.memory_space<hbm>> -> memref<2x128xi32, #tpu.memory_space<hbm>>
        tpu.enqueue_dma source(%dma_start3A_140 : memref<2x128xi32, #tpu.memory_space<hbm>>) target(%dma_start3A_138 : memref<2x128xi32, #tpu.memory_space<vmem>>) target_semaphore(%arg11 : memref<!tpu.dma_semaphore, #tpu.memory_space<semaphore_mem>>)
      } else {
      }
    }
    %while3A_76 = arith.constant 1 : i32
    scf.for %while3A_82 = %while3A_74 to %while3A_70 step %while3A_76  : i32 {
      %and3A = arith.constant 1 : i32
      %and3A_83 = arith.andi %while3A_82, %and3A : i32
      %sub3A = arith.constant 1 : i32
      %sub3A_84 = arith.subi %sub3A, %and3A_83 : i32
      %dma_wait3A = arith.constant 0 : i32
      %dma_wait3A_85 = arith.constant 0 : i32
      %dma_wait3A_86 = arith.constant 0 : i32
      %dma_wait3A_87 = arith.constant 0 : i32
      %dma_wait3A_88 = tpu.memref_slice %arg6[%and3A_83, %dma_wait3A_86, %dma_wait3A_87] : memref<2x128x128xf32, #tpu.memory_space<vmem>> -> memref<1x64x128xf32, #tpu.memory_space<vmem>>
      %dma_wait3A_89 = tpu.memref_squeeze %dma_wait3A_88 : memref<1x64x128xf32, #tpu.memory_space<vmem>> -> memref<64x128xf32, #tpu.memory_space<vmem>>
      %dma_wait3A_90 = arith.constant 0 : i32
      %dma_wait3A_91 = tpu.memref_slice %arg5[%dma_wait3A, %dma_wait3A_85, %dma_wait3A_90] : memref<2x2x128xi32, #tpu.memory_space<vmem>> -> memref<1x1x64xi32, #tpu.memory_space<vmem>>
      %dma_wait3A_92 = tpu.memref_squeeze %dma_wait3A_91 : memref<1x1x64xi32, #tpu.memory_space<vmem>> -> memref<64xi32, #tpu.memory_space<vmem>>
      %dma_wait3A_93 = arith.constant 0 : i32
      %dma_wait3A_94 = arith.constant 0 : i32
      %dma_wait3A_95 = tpu.memref_slice %arg2[%dma_wait3A_93, %dma_wait3A_94] : memref<10000x128xf32, #tpu.memory_space<hbm>> -> memref<10000x128xf32, #tpu.memory_space<hbm>>
      tpu.wait_indirect_dma semaphore(%arg9 : memref<!tpu.dma_semaphore, #tpu.memory_space<semaphore_mem>>) src(%dma_wait3A_95 : memref<10000x128xf32, #tpu.memory_space<hbm>>) dst(%dma_wait3A_89 : memref<64x128xf32, #tpu.memory_space<vmem>>)
      %dma_wait3A_96 = arith.constant 0 : i32
      %dma_wait3A_97 = arith.constant 0 : i32
      %dma_wait3A_98 = arith.constant 64 : i32
      %dma_wait3A_99 = arith.constant 0 : i32
      %dma_wait3A_100 = tpu.memref_slice %arg6[%and3A_83, %dma_wait3A_98, %dma_wait3A_99] : memref<2x128x128xf32, #tpu.memory_space<vmem>> -> memref<1x64x128xf32, #tpu.memory_space<vmem>>
      %dma_wait3A_101 = tpu.memref_squeeze %dma_wait3A_100 : memref<1x64x128xf32, #tpu.memory_space<vmem>> -> memref<64x128xf32, #tpu.memory_space<vmem>>
      %dma_wait3A_102 = arith.constant 64 : i32
      %dma_wait3A_103 = tpu.memref_slice %arg5[%dma_wait3A_96, %dma_wait3A_97, %dma_wait3A_102] : memref<2x2x128xi32, #tpu.memory_space<vmem>> -> memref<1x1x64xi32, #tpu.memory_space<vmem>>
      %dma_wait3A_104 = tpu.memref_squeeze %dma_wait3A_103 : memref<1x1x64xi32, #tpu.memory_space<vmem>> -> memref<64xi32, #tpu.memory_space<vmem>>
      %dma_wait3A_105 = arith.constant 0 : i32
      %dma_wait3A_106 = arith.constant 0 : i32
      %dma_wait3A_107 = tpu.memref_slice %arg2[%dma_wait3A_105, %dma_wait3A_106] : memref<10000x128xf32, #tpu.memory_space<hbm>> -> memref<10000x128xf32, #tpu.memory_space<hbm>>
      tpu.wait_indirect_dma semaphore(%arg10 : memref<!tpu.dma_semaphore, #tpu.memory_space<semaphore_mem>>) src(%dma_wait3A_107 : memref<10000x128xf32, #tpu.memory_space<hbm>>) dst(%dma_wait3A_101 : memref<64x128xf32, #tpu.memory_space<vmem>>)
      %sub3A_108 = arith.constant 1 : i32
      %sub3A_109 = arith.subi %add3A_4, %sub3A_108 : i32
      %lt3A_110 = arith.cmpi slt, %while3A_82, %sub3A_109 : i32
      %convert_element_type3A_111 = arith.extui %lt3A_110 : i1 to i32
      %cond3A_112 = arith.constant 0 : i32
      %cond3A_113 = arith.cmpi ne, %convert_element_type3A_111, %cond3A_112 : i32
      scf.if %cond3A_113 {
        %dma_wait3A_121 = arith.constant 0 : i32
        %dma_wait3A_122 = arith.constant 0 : i32
        %dma_wait3A_123 = tpu.memref_slice %arg5[%sub3A_84, %dma_wait3A_121, %dma_wait3A_122] : memref<2x2x128xi32, #tpu.memory_space<vmem>> -> memref<1x2x128xi32, #tpu.memory_space<vmem>>
        %dma_wait3A_124 = tpu.memref_squeeze %dma_wait3A_123 : memref<1x2x128xi32, #tpu.memory_space<vmem>> -> memref<2x128xi32, #tpu.memory_space<vmem>>
        %dma_wait3A_125 = arith.constant 0 : i32
        %dma_wait3A_126 = arith.constant 0 : i32
        %dma_wait3A_127 = tpu.memref_slice %arg3[%dma_wait3A_125, %dma_wait3A_126] : memref<2x320000xi32, #tpu.memory_space<hbm>> -> memref<2x128xi32, #tpu.memory_space<hbm>>
        %dma_wait3A_128 = arith.constant 0 : i32
        %dma_wait3A_129 = arith.constant 0 : i32
        %dma_wait3A_130 = tpu.memref_slice %arg5[%sub3A_84, %dma_wait3A_128, %dma_wait3A_129] : memref<2x2x128xi32, #tpu.memory_space<vmem>> -> memref<1x2x128xi32, #tpu.memory_space<vmem>>
        %dma_wait3A_131 = tpu.memref_squeeze %dma_wait3A_130 : memref<1x2x128xi32, #tpu.memory_space<vmem>> -> memref<2x128xi32, #tpu.memory_space<vmem>>
        %dma_wait3A_132 = arith.constant 0 : i32
        %dma_wait3A_133 = arith.constant 0 : i32
        %dma_wait3A_134 = tpu.memref_slice %arg3[%dma_wait3A_132, %dma_wait3A_133] : memref<2x320000xi32, #tpu.memory_space<hbm>> -> memref<2x128xi32, #tpu.memory_space<hbm>>
        tpu.wait_dma2 semaphore(%arg11 : memref<!tpu.dma_semaphore, #tpu.memory_space<semaphore_mem>>) src(%dma_wait3A_134 : memref<2x128xi32, #tpu.memory_space<hbm>>) dst(%dma_wait3A_131 : memref<2x128xi32, #tpu.memory_space<vmem>>)
        %dma_start3A_135 = arith.constant 0 : i32
        %dma_start3A_136 = arith.constant 0 : i32
        %dma_start3A_137 = arith.constant 0 : i32
        %dma_start3A_138 = tpu.memref_slice %arg6[%sub3A_84, %dma_start3A_136, %dma_start3A_137] : memref<2x128x128xf32, #tpu.memory_space<vmem>> -> memref<1x64x128xf32, #tpu.memory_space<vmem>>
        %dma_start3A_139 = tpu.memref_squeeze %dma_start3A_138 : memref<1x64x128xf32, #tpu.memory_space<vmem>> -> memref<64x128xf32, #tpu.memory_space<vmem>>
        %dma_start3A_140 = arith.constant 0 : i32
        %dma_start3A_141 = tpu.memref_slice %arg5[%sub3A_84, %dma_start3A_135, %dma_start3A_140] : memref<2x2x128xi32, #tpu.memory_space<vmem>> -> memref<1x1x64xi32, #tpu.memory_space<vmem>>
        %dma_start3A_142 = tpu.memref_squeeze %dma_start3A_141 : memref<1x1x64xi32, #tpu.memory_space<vmem>> -> memref<64xi32, #tpu.memory_space<vmem>>
        %dma_start3A_143 = arith.constant 0 : i32
        %dma_start3A_144 = arith.constant 0 : i32
        %dma_start3A_145 = tpu.memref_slice %arg2[%dma_start3A_143, %dma_start3A_144] : memref<10000x128xf32, #tpu.memory_space<hbm>> -> memref<10000x128xf32, #tpu.memory_space<hbm>>
        tpu.enqueue_indirect_dma source(%dma_start3A_145 : memref<10000x128xf32, #tpu.memory_space<hbm>>) target(%dma_start3A_139 : memref<64x128xf32, #tpu.memory_space<vmem>>) offsets(%dma_start3A_142 : memref<64xi32, #tpu.memory_space<vmem>>) semaphore(%arg9 : memref<!tpu.dma_semaphore, #tpu.memory_space<semaphore_mem>>)
        %dma_start3A_146 = arith.constant 0 : i32
        %dma_start3A_147 = arith.constant 64 : i32
        %dma_start3A_148 = arith.constant 0 : i32
        %dma_start3A_149 = tpu.memref_slice %arg6[%sub3A_84, %dma_start3A_147, %dma_start3A_148] : memref<2x128x128xf32, #tpu.memory_space<vmem>> -> memref<1x64x128xf32, #tpu.memory_space<vmem>>
        %dma_start3A_150 = tpu.memref_squeeze %dma_start3A_149 : memref<1x64x128xf32, #tpu.memory_space<vmem>> -> memref<64x128xf32, #tpu.memory_space<vmem>>
        %dma_start3A_151 = arith.constant 64 : i32
        %dma_start3A_152 = tpu.memref_slice %arg5[%sub3A_84, %dma_start3A_146, %dma_start3A_151] : memref<2x2x128xi32, #tpu.memory_space<vmem>> -> memref<1x1x64xi32, #tpu.memory_space<vmem>>
        %dma_start3A_153 = tpu.memref_squeeze %dma_start3A_152 : memref<1x1x64xi32, #tpu.memory_space<vmem>> -> memref<64xi32, #tpu.memory_space<vmem>>
        %dma_start3A_154 = arith.constant 0 : i32
        %dma_start3A_155 = arith.constant 0 : i32
        %dma_start3A_156 = tpu.memref_slice %arg2[%dma_start3A_154, %dma_start3A_155] : memref<10000x128xf32, #tpu.memory_space<hbm>> -> memref<10000x128xf32, #tpu.memory_space<hbm>>
        tpu.enqueue_indirect_dma source(%dma_start3A_156 : memref<10000x128xf32, #tpu.memory_space<hbm>>) target(%dma_start3A_150 : memref<64x128xf32, #tpu.memory_space<vmem>>) offsets(%dma_start3A_153 : memref<64xi32, #tpu.memory_space<vmem>>) semaphore(%arg10 : memref<!tpu.dma_semaphore, #tpu.memory_space<semaphore_mem>>)
      } else {
      }
      %run_scoped3A_114 = arith.constant 1 : i32
      "tpu.region"() ({
        %run_scoped3A_121 = tpu.sem_alloc : memref<!tpu.dma_semaphore, #tpu.memory_space<semaphore_mem>>
        %dma_start3A_122 = arith.constant 0 : i32
        %dma_start3A_123 = arith.constant 0 : i32
        %dma_start3A_124 = tpu.memref_slice %arg6[%and3A_83, %dma_start3A_122, %dma_start3A_123] : memref<2x128x128xf32, #tpu.memory_space<vmem>> -> memref<1x128x128xf32, #tpu.memory_space<vmem>>
        %dma_start3A_125 = tpu.memref_squeeze %dma_start3A_124 : memref<1x128x128xf32, #tpu.memory_space<vmem>> -> memref<128x128xf32, #tpu.memory_space<vmem>>
        %dma_start3A_126 = arith.constant 0 : i32
        %dma_start3A_127 = tpu.memref_slice %arg5[%and3A_83, %run_scoped3A_114, %dma_start3A_126] : memref<2x2x128xi32, #tpu.memory_space<vmem>> -> memref<1x1x128xi32, #tpu.memory_space<vmem>>
        %dma_start3A_128 = tpu.memref_squeeze %dma_start3A_127 : memref<1x1x128xi32, #tpu.memory_space<vmem>> -> memref<128xi32, #tpu.memory_space<vmem>>
        %dma_start3A_129 = arith.constant 0 : i32
        %dma_start3A_130 = arith.constant 0 : i32
        %dma_start3A_131 = tpu.memref_slice %arg8[%dma_start3A_129, %dma_start3A_130] : memref<10000x128xf32, #tpu.memory_space<vmem_shared>> -> memref<10000x128xf32, #tpu.memory_space<vmem_shared>>
        tpu.enqueue_indirect_dma source(%dma_start3A_125 : memref<128x128xf32, #tpu.memory_space<vmem>>) target(%dma_start3A_131 : memref<10000x128xf32, #tpu.memory_space<vmem_shared>>) offsets(%dma_start3A_128 : memref<128xi32, #tpu.memory_space<vmem>>) semaphore(%run_scoped3A_121 : memref<!tpu.dma_semaphore, #tpu.memory_space<semaphore_mem>>) {add = true}
        %dma_wait3A_132 = arith.constant 0 : i32
        %dma_wait3A_133 = arith.constant 0 : i32
        %dma_wait3A_134 = tpu.memref_slice %arg6[%and3A_83, %dma_wait3A_132, %dma_wait3A_133] : memref<2x128x128xf32, #tpu.memory_space<vmem>> -> memref<1x128x128xf32, #tpu.memory_space<vmem>>
        %dma_wait3A_135 = tpu.memref_squeeze %dma_wait3A_134 : memref<1x128x128xf32, #tpu.memory_space<vmem>> -> memref<128x128xf32, #tpu.memory_space<vmem>>
        %dma_wait3A_136 = arith.constant 0 : i32
        %dma_wait3A_137 = tpu.memref_slice %arg5[%and3A_83, %run_scoped3A_114, %dma_wait3A_136] : memref<2x2x128xi32, #tpu.memory_space<vmem>> -> memref<1x1x128xi32, #tpu.memory_space<vmem>>
        %dma_wait3A_138 = tpu.memref_squeeze %dma_wait3A_137 : memref<1x1x128xi32, #tpu.memory_space<vmem>> -> memref<128xi32, #tpu.memory_space<vmem>>
        %dma_wait3A_139 = arith.constant 0 : i32
        %dma_wait3A_140 = arith.constant 0 : i32
        %dma_wait3A_141 = tpu.memref_slice %arg8[%dma_wait3A_139, %dma_wait3A_140] : memref<10000x128xf32, #tpu.memory_space<vmem_shared>> -> memref<10000x128xf32, #tpu.memory_space<vmem_shared>>
        tpu.wait_indirect_dma semaphore(%run_scoped3A_121 : memref<!tpu.dma_semaphore, #tpu.memory_space<semaphore_mem>>) src(%dma_wait3A_135 : memref<128x128xf32, #tpu.memory_space<vmem>>) dst(%dma_wait3A_141 : memref<10000x128xf32, #tpu.memory_space<vmem_shared>>)
        tpu.yield
      }) : () -> ()
      %sub3A_115 = arith.constant 2 : i32
      %sub3A_116 = arith.subi %add3A_4, %sub3A_115 : i32
      %lt3A_117 = arith.cmpi slt, %while3A_82, %sub3A_116 : i32
      %convert_element_type3A_118 = arith.extui %lt3A_117 : i1 to i32
      %cond3A_119 = arith.constant 0 : i32
      %cond3A_120 = arith.cmpi ne, %convert_element_type3A_118, %cond3A_119 : i32
      scf.if %cond3A_120 {
        %add3A_121 = arith.constant 2 : i32
        %add3A_122 = arith.addi %while3A_82, %add3A_121 : i32
        %mul3A_123 = arith.constant 32 : i32
        %mul3A_124 = arith.muli %add3A_122, %mul3A_123 : i32
        %add3A_125 = arith.addi %add3A, %mul3A_124 : i32
        %mul3A_126 = arith.constant 128 : i32
        %mul3A_127 = arith.muli %add3A_125, %mul3A_126 : i32
        %multiple_of3A_128 = tpu.assume_multiple %mul3A_127, 128 : i32
        %dma_start3A_129 = arith.constant 0 : i32
        %dma_start3A_130 = arith.constant 0 : i32
        %dma_start3A_131 = tpu.memref_slice %arg5[%and3A_83, %dma_start3A_129, %dma_start3A_130] : memref<2x2x128xi32, #tpu.memory_space<vmem>> -> memref<1x2x128xi32, #tpu.memory_space<vmem>>
        %dma_start3A_132 = tpu.memref_squeeze %dma_start3A_131 : memref<1x2x128xi32, #tpu.memory_space<vmem>> -> memref<2x128xi32, #tpu.memory_space<vmem>>
        %dma_start3A_133 = arith.constant 0 : i32
        %dma_start3A_134 = tpu.memref_slice %arg3[%dma_start3A_133, %multiple_of3A_128] : memref<2x320000xi32, #tpu.memory_space<hbm>> -> memref<2x128xi32, #tpu.memory_space<hbm>>
        %dma_start3A_135 = arith.constant 0 : i32
        %dma_start3A_136 = arith.constant 0 : i32
        %dma_start3A_137 = tpu.memref_slice %arg5[%and3A_83, %dma_start3A_135, %dma_start3A_136] : memref<2x2x128xi32, #tpu.memory_space<vmem>> -> memref<1x2x128xi32, #tpu.memory_space<vmem>>
        %dma_start3A_138 = tpu.memref_squeeze %dma_start3A_137 : memref<1x2x128xi32, #tpu.memory_space<vmem>> -> memref<2x128xi32, #tpu.memory_space<vmem>>
        %dma_start3A_139 = arith.constant 0 : i32
        %dma_start3A_140 = tpu.memref_slice %arg3[%dma_start3A_139, %multiple_of3A_128] : memref<2x320000xi32, #tpu.memory_space<hbm>> -> memref<2x128xi32, #tpu.memory_space<hbm>>
        tpu.enqueue_dma source(%dma_start3A_140 : memref<2x128xi32, #tpu.memory_space<hbm>>) target(%dma_start3A_138 : memref<2x128xi32, #tpu.memory_space<vmem>>) target_semaphore(%arg11 : memref<!tpu.dma_semaphore, #tpu.memory_space<semaphore_mem>>)
      } else {
      }
    }
    %barrier3A_77 = arith.constant 0 : index
    tpu.barrier barrier_id(%barrier3A_77)
    %multiple_of3A_78 = tpu.assume_multiple %mul3A_55, 8 : i32
    "tpu.region"() ({
      %run_scoped3A_82 = tpu.sem_alloc : memref<!tpu.dma_semaphore, #tpu.memory_space<semaphore_mem>>
      %dma_start3A_83 = arith.constant 0 : i32
      %dma_start3A_84 = tpu.memref_slice %arg4[%arg0, %multiple_of3A_78, %dma_start3A_83] : memref<2x10000x128xf32, #tpu.memory_space<hbm>> -> memref<1x624x128xf32, #tpu.memory_space<hbm>>
      %dma_start3A_85 = tpu.memref_squeeze %dma_start3A_84 : memref<1x624x128xf32, #tpu.memory_space<hbm>> -> memref<624x128xf32, #tpu.memory_space<hbm>>
      %dma_start3A_86 = arith.constant 0 : i32
      %dma_start3A_87 = tpu.memref_slice %arg8[%multiple_of3A_78, %dma_start3A_86] : memref<10000x128xf32, #tpu.memory_space<vmem_shared>> -> memref<624x128xf32, #tpu.memory_space<vmem_shared>>
      tpu.enqueue_dma source(%dma_start3A_87 : memref<624x128xf32, #tpu.memory_space<vmem_shared>>) target(%dma_start3A_85 : memref<624x128xf32, #tpu.memory_space<hbm>>) target_semaphore(%run_scoped3A_82 : memref<!tpu.dma_semaphore, #tpu.memory_space<semaphore_mem>>)
      %dma_wait3A = arith.constant 0 : i32
      %dma_wait3A_88 = tpu.memref_slice %arg4[%arg0, %multiple_of3A_78, %dma_wait3A] : memref<2x10000x128xf32, #tpu.memory_space<hbm>> -> memref<1x624x128xf32, #tpu.memory_space<hbm>>
      %dma_wait3A_89 = tpu.memref_squeeze %dma_wait3A_88 : memref<1x624x128xf32, #tpu.memory_space<hbm>> -> memref<624x128xf32, #tpu.memory_space<hbm>>
      %dma_wait3A_90 = arith.constant 0 : i32
      %dma_wait3A_91 = tpu.memref_slice %arg8[%multiple_of3A_78, %dma_wait3A_90] : memref<10000x128xf32, #tpu.memory_space<vmem_shared>> -> memref<624x128xf32, #tpu.memory_space<vmem_shared>>
      tpu.wait_dma2 semaphore(%run_scoped3A_82 : memref<!tpu.dma_semaphore, #tpu.memory_space<semaphore_mem>>) src(%dma_wait3A_91 : memref<624x128xf32, #tpu.memory_space<vmem_shared>>) dst(%dma_wait3A_89 : memref<624x128xf32, #tpu.memory_space<hbm>>)
      tpu.yield
    }) : () -> ()
    %eq3A_79 = arith.constant 15 : i32
    %eq3A_80 = arith.cmpi eq, %arg1, %eq3A_79 : i32
    %convert_element_type3A = arith.extui %eq3A_80 : i1 to i32
    %cond3A = arith.constant 0 : i32
    %cond3A_81 = arith.cmpi ne, %convert_element_type3A, %cond3A : i32
    scf.if %cond3A_81 {
      "tpu.region"() ({
        %run_scoped3A_82 = tpu.sem_alloc : memref<!tpu.dma_semaphore, #tpu.memory_space<semaphore_mem>>
        %dma_start3A_83 = arith.constant 9984 : i32
        %dma_start3A_84 = arith.constant 0 : i32
        %dma_start3A_85 = tpu.memref_slice %arg4[%arg0, %dma_start3A_83, %dma_start3A_84] : memref<2x10000x128xf32, #tpu.memory_space<hbm>> -> memref<1x16x128xf32, #tpu.memory_space<hbm>>
        %dma_start3A_86 = tpu.memref_squeeze %dma_start3A_85 : memref<1x16x128xf32, #tpu.memory_space<hbm>> -> memref<16x128xf32, #tpu.memory_space<hbm>>
        %dma_start3A_87 = arith.constant 9984 : i32
        %dma_start3A_88 = arith.constant 0 : i32
        %dma_start3A_89 = tpu.memref_slice %arg8[%dma_start3A_87, %dma_start3A_88] : memref<10000x128xf32, #tpu.memory_space<vmem_shared>> -> memref<16x128xf32, #tpu.memory_space<vmem_shared>>
        tpu.enqueue_dma source(%dma_start3A_89 : memref<16x128xf32, #tpu.memory_space<vmem_shared>>) target(%dma_start3A_86 : memref<16x128xf32, #tpu.memory_space<hbm>>) target_semaphore(%run_scoped3A_82 : memref<!tpu.dma_semaphore, #tpu.memory_space<semaphore_mem>>)
        %dma_wait3A = arith.constant 9984 : i32
        %dma_wait3A_90 = arith.constant 0 : i32
        %dma_wait3A_91 = tpu.memref_slice %arg4[%arg0, %dma_wait3A, %dma_wait3A_90] : memref<2x10000x128xf32, #tpu.memory_space<hbm>> -> memref<1x16x128xf32, #tpu.memory_space<hbm>>
        %dma_wait3A_92 = tpu.memref_squeeze %dma_wait3A_91 : memref<1x16x128xf32, #tpu.memory_space<hbm>> -> memref<16x128xf32, #tpu.memory_space<hbm>>
        %dma_wait3A_93 = arith.constant 9984 : i32
        %dma_wait3A_94 = arith.constant 0 : i32
        %dma_wait3A_95 = tpu.memref_slice %arg8[%dma_wait3A_93, %dma_wait3A_94] : memref<10000x128xf32, #tpu.memory_space<vmem_shared>> -> memref<16x128xf32, #tpu.memory_space<vmem_shared>>
        tpu.wait_dma2 semaphore(%run_scoped3A_82 : memref<!tpu.dma_semaphore, #tpu.memory_space<semaphore_mem>>) src(%dma_wait3A_95 : memref<16x128xf32, #tpu.memory_space<vmem_shared>>) dst(%dma_wait3A_92 : memref<16x128xf32, #tpu.memory_space<hbm>>)
        tpu.yield
      }) : () -> ()
    } else {
    }
    return
  }
}

module attributes {stable_mosaic.version = 14 : i64} {
  func.func @_mul_body(%arg0: i32, %arg1: memref<2000x128xf32, #tpu.memory_space<vmem>>, %arg2: memref<2000x1xf32, #tpu.memory_space<vmem>>, %arg3: memref<2000x128xf32, #tpu.memory_space<vmem>>) attributes {dimension_semantics = [#tpu.dimension_semantics<arbitrary>], iteration_bounds = array<i64: 5>, scalar_prefetch = 0 : i64, scratch_operands = 0 : i64, tpu.core_type = #tpu.core_type<tc>, window_params = [{transform_indices = @transform_0, window_bounds = array<i64: 2000, 128>}, {transform_indices = @transform_1, window_bounds = array<i64: 2000, 1>}, {transform_indices = @transform_2, window_bounds = array<i64: 2000, 128>}]} {
    %get3A = arith.constant 0 : index
    %get3A_0 = arith.constant 0 : index
    %get3A_1 = vector.load %arg1[%get3A, %get3A_0] : memref<2000x128xf32, #tpu.memory_space<vmem>>, vector<2000x128xf32>
    %get3A_2 = arith.constant 0 : index
    %get3A_3 = arith.constant 0 : index
    %get3A_4 = vector.load %arg2[%get3A_2, %get3A_3] : memref<2000x1xf32, #tpu.memory_space<vmem>>, vector<2000x1xf32>
    %mul3A = vector.broadcast %get3A_4 : vector<2000x1xf32> to vector<2000x128xf32>
    %mul3A_5 = arith.mulf %get3A_1, %mul3A : vector<2000x128xf32>
    %swap3A = arith.constant 0 : index
    %swap3A_6 = arith.constant 0 : index
    %swap3A_7 = vector.load %arg3[%swap3A, %swap3A_6] : memref<2000x128xf32, #tpu.memory_space<vmem>>, vector<2000x128xf32>
    tpu.vector_store %arg3[%swap3A, %swap3A_6], %mul3A_5 {strides = array<i32>} : memref<2000x128xf32, #tpu.memory_space<vmem>>, vector<2000x128xf32>,
    return
  }
  func.func @transform_0(%arg0: i32) -> (i32, i32) {
    %c0_i32 = arith.constant 0 : i32
    %c0_i32_0 = arith.constant 0 : i32
    return %arg0, %c0_i32 : i32, i32
  }
  func.func @transform_1(%arg0: i32) -> (i32, i32) {
    %c0_i32 = arith.constant 0 : i32
    %c0_i32_0 = arith.constant 0 : i32
    return %arg0, %c0_i32 : i32, i32
  }
  func.func @transform_2(%arg0: i32) -> (i32, i32) {
    %c0_i32 = arith.constant 0 : i32
    %c0_i32_0 = arith.constant 0 : i32
    return %arg0, %c0_i32 : i32, i32
  }
}

module attributes {stable_mosaic.version = 14 : i64} {
  func.func @_comb_body(%arg0: i32, %arg1: memref<2x1000x128xf32, #tpu.memory_space<vmem>>, %arg2: memref<128x128xf32, #tpu.memory_space<vmem>>, %arg3: memref<1000x1xf32, #tpu.memory_space<vmem>>, %arg4: memref<1000x128xf32, #tpu.memory_space<vmem>>) attributes {dimension_semantics = [#tpu.dimension_semantics<arbitrary>], iteration_bounds = array<i64: 10>, scalar_prefetch = 0 : i64, scratch_operands = 0 : i64, tpu.core_type = #tpu.core_type<tc>, window_params = [{transform_indices = @transform_0, window_bounds = array<i64: 2, 1000, 128>}, {pipeline_mode = #tpu.pipeline_mode<synchronous>, transform_indices = @transform_1, window_bounds = array<i64: 128, 128>}, {transform_indices = @transform_2, window_bounds = array<i64: 1000, 1>}, {transform_indices = @transform_3, window_bounds = array<i64: 1000, 128>}]} {
    %get3A = arith.constant 0 : index
    %get3A_0 = arith.constant 0 : index
    %get3A_1 = arith.constant 0 : index
    %get3A_2 = vector.load %arg1[%get3A, %get3A_0, %get3A_1] : memref<2x1000x128xf32, #tpu.memory_space<vmem>>, vector<1x1000x128xf32>
    %get3A_3 = vector.shape_cast %get3A_2 : vector<1x1000x128xf32> to vector<1000x128xf32>
    %get3A_4 = arith.constant 1 : index
    %get3A_5 = arith.constant 0 : index
    %get3A_6 = arith.constant 0 : index
    %get3A_7 = vector.load %arg1[%get3A_4, %get3A_5, %get3A_6] : memref<2x1000x128xf32, #tpu.memory_space<vmem>>, vector<1x1000x128xf32>
    %get3A_8 = vector.shape_cast %get3A_7 : vector<1x1000x128xf32> to vector<1000x128xf32>
    %add3A = arith.addf %get3A_3, %get3A_8 : vector<1000x128xf32>
    %get3A_9 = arith.constant 0 : index
    %get3A_10 = arith.constant 0 : index
    %get3A_11 = vector.load %arg2[%get3A_9, %get3A_10] : memref<128x128xf32, #tpu.memory_space<vmem>>, vector<128x128xf32>
    %dot_general3A = arith.constant dense<0.000000e+00> : vector<1000x128xf32>
    %dot_general3A_12 = tpu.matmul %add3A, %get3A_11, %dot_general3A {dimension_numbers = #tpu.dot_dimension_numbers<[1], [0], [0], [1], [0, 0, 1, 1], [], []>, transpose_lhs_hint = false} : vector<1000x128xf32>, vector<128x128xf32>, vector<1000x128xf32> -> vector<1000x128xf32>
    %get3A_13 = arith.constant 0 : index
    %get3A_14 = arith.constant 0 : index
    %get3A_15 = vector.load %arg3[%get3A_13, %get3A_14] : memref<1000x1xf32, #tpu.memory_space<vmem>>, vector<1000x1xf32>
    %mul3A = vector.broadcast %get3A_15 : vector<1000x1xf32> to vector<1000x128xf32>
    %mul3A_16 = arith.mulf %dot_general3A_12, %mul3A : vector<1000x128xf32>
    %swap3A = arith.constant 0 : index
    %swap3A_17 = arith.constant 0 : index
    %swap3A_18 = vector.load %arg4[%swap3A, %swap3A_17] : memref<1000x128xf32, #tpu.memory_space<vmem>>, vector<1000x128xf32>
    tpu.vector_store %arg4[%swap3A, %swap3A_17], %mul3A_16 {strides = array<i32>} : memref<1000x128xf32, #tpu.memory_space<vmem>>, vector<1000x128xf32>,
    return
  }
  func.func @transform_0(%arg0: i32) -> (i32, i32, i32) {
    %c0_i32 = arith.constant 0 : i32
    %c0_i32_0 = arith.constant 0 : i32
    %c0_i32_1 = arith.constant 0 : i32
    return %c0_i32, %arg0, %c0_i32_0 : i32, i32, i32
  }
  func.func @transform_1(%arg0: i32) -> (i32, i32) {
    %c0_i32 = arith.constant 0 : i32
    %c0_i32_0 = arith.constant 0 : i32
    %c0_i32_1 = arith.constant 0 : i32
    return %c0_i32, %c0_i32_0 : i32, i32
  }
  func.func @transform_2(%arg0: i32) -> (i32, i32) {
    %c0_i32 = arith.constant 0 : i32
    %c0_i32_0 = arith.constant 0 : i32
    return %arg0, %c0_i32 : i32, i32
  }
  func.func @transform_3(%arg0: i32) -> (i32, i32) {
    %c0_i32 = arith.constant 0 : i32
    %c0_i32_0 = arith.constant 0 : i32
    return %arg0, %c0_i32 : i32, i32
  }
}

</mosaic_0001>

<sc_bundles>
// kernel: kernel.5.cloned.1.call-start
scs
__scs_entry_jumppad:
0x0: {  	(pc) =	sbr.rel $0x88, $3  }
0x1: {  	(tag) =	ssettag $0x0;
	lr =	simm.s32 $0x1  }
0x2: {  	[smem:$0x3F9C] =	sst lr;
	_ =	strace $0xD0000000  }
0x3: {  	_ = 	snop  }
0x4: {  	_ = 	snop  }
0x5: {  	_ = 	snop  }
0x6: {  	_ = 	snop  }
0x7: {  	_ = 	snop  }
__scs_overlays_trampoline_lowered:
0x8: {  	[smem:$0x3FAB] =	sst s0  }
0x9: {  	[smem:$0x3FAC] =	sst s1  }
0xa: {  	[smem:$0x3FAD] =	sst s2  }
0xb: {  	[smem:$0x3FAE] =	sst s3  }
0xc: {  	[smem:$0x3FAF] =	sst s4  }
0xd: {  	[smem:$0x3FB0] =	sst s5  }
0xe: {  	[smem:$0x3FB1] =	sst s6  }
0xf: {  	[smem:$0x3FB2] =	sst s7  }
0x10: {  	[smem:$0x3FB3] =	sst s8  }
0x11: {  	[smem:$0x3FB4] =	sst s9;
	s0 =	simm.s32 @!p0 $0x0  }
0x12: {  	s1 =	sld [smem:$0x3F9A];
	s0 =	simm.s32 @p0 $0x1  }
0x13: {  	[smem:$0x3FB5] =	sst s0;
	s0 =	simm.s32 @!p1 $0x0  }
0x14: {  	s2 =	sld [smem:$0x3F99];
	s0 =	simm.s32 @p1 $0x1  }
0x15: {  	[smem:$0x3FB6] =	sst s0;
	s0 =	simm.s32 @!p2 $0x0  }
0x16: {  	s3 =	sld [smem:$0x3FDB];
	s0 =	simm.s32 @p2 $0x1  }
0x17: {  	s4 =	simm.s32 $0x1BF5;
	[smem:$0x3FB8] =	sst s0  }
0x18: {  	s0 =	sld [smem:$0x3F9B];
	_ =	swait.ge [sflag:s4], $0x0  }
0x19: {  	s7 =	sld [smem:$0x3F9C]  }
0x1a: {  	s8 =	sadd.s32 $0xFFFFE003, lr  }
0x1b: {  	s9 =	sadd.s32 $0xFFFFFEF7, lr;
	s5 =	simm.s32 $0xFFFFFFFF;
	p2 =	slt.u32 s8, $0xFFFFF086  }
0x1c: {  	p1 =	slt.u32 s9, $0xF7A;
	s5 =	simm.s32 @!p2 $0x0  }
0x1d: {  	s5 =	simm.s32 @p1 $0x1;
	p0 =	seq.s32 s7, s2  }
0x1e: {  	s7 =	smul.u32 @!p0 $0xF7A, s2;
	p2 =	seq.s32 @!p0 s5, $0x0  }
0x1f: {  	s9 =	smul.u32 $0xF7A, s1;
	s8 =	simm.s32 @!p0 $0x1BF5;
	p2 =	por !p2, p0  }
0x20: {  	[sflag:s8] =	ssyncset.s32 @!p0 $0xFFFFF086;
	s6 =	sadd.s32 @!p0 s3, s7;
	s7 =	simm.s32 @!p0 $0x108  }
0x21: {  	s3 =	sadd.s32 s3, s9;
	s6 =	sadd.s32 @!p0 $0x88, s6;
	s7 =	simm.s32 @p2 $0x1082  }
0x22: {  	[simem:s7], [sflag:s8] =	dma.local @!p0 [hbm:s6], $0xF7A  }
0x23: {  	s9 =	sor.u32 $0xD0000000, s2;
	s6 =	simm.s32 $0x108;
	_ =	swait.ge @!p0 [sflag:s8], $0x0  }
0x24: {  	s3 =	sadd.s32 $0x88, s3;
	s6 =	simm.s32 @!p1 $0x1082;
	[sflag:s4] =	ssyncset.s32 $0xFFFFF086  }
0x25: {  	[simem:s6], [sflag:s4] =	dma.local [hbm:s3], $0xF7A  }
0x26: {  	[smem:$0x3F9C] =	sst s1;
	(tag) =	ssettag s2;
	_ =	strace s9  }
0x27: {  	s1 =	sld [smem:$0x3FAC]  }
0x28: {  	s2 =	sld [smem:$0x3FAD]  }
0x29: {  	s4 =	sld [smem:$0x3FAF]  }
0x2a: {  	p0 =	seq.s32 s5, $0x0;
	s5 =	sld [smem:$0x3FB0]  }
0x2b: {  	s6 =	sld [smem:$0x3FB1]  }
0x2c: {  	s7 =	sld [smem:$0x3FB2]  }
0x2d: {  	s3 =	simm.s32 $0x108;
	s8 =	sld [smem:$0x3FB3]  }
0x2e: {  	s3 =	simm.s32 @!p0 $0x1082;
	s9 =	sld [smem:$0x3FB4]  }
0x2f: {  	lr =	sadd.s32 s0, s3;
	s0 =	sld [smem:$0x3FAB]  }
0x30: {  	s3 =	sld [smem:$0x3FAE]  }
0x31: {  	[smem:$0x3FB7] =	sst s10  }
0x32: {  	s10 =	sld [smem:$0x3FB5];
	_ =	sdelay $0x3  }
0x33: {  	p0 =	seq.s32 s10, $0x1;
	s10 =	sld [smem:$0x3FB7];
	_ =	sdelay $0x3  }
0x34: {  	[smem:$0x3FB7] =	sst s10  }
0x35: {  	s10 =	sld [smem:$0x3FB6];
	_ =	sdelay $0x3  }
0x36: {  	p1 =	seq.s32 s10, $0x1;
	s10 =	sld [smem:$0x3FB7];
	_ =	sdelay $0x3  }
0x37: {  	[smem:$0x3FB7] =	sst s10  }
0x38: {  	s10 =	sld [smem:$0x3FB8]  }
0x39: {  	_ = 	snop;
	(pc) =	sbr.ind lr, $3  }
0x3a: {  	_ = 	snop  }
0x3b: {  	_ = 	snop  }
0x3c: {  	p2 =	seq.s32 s10, $0x1;
	s10 =	sld [smem:$0x3FB7]  }
0x3d: {  	_ =	shalt  }
0x3e: {  	_ =	shalt  }
0x3f: {  	_ =	shalt  }
0x40: {  	_ =	shalt  }
0x41: {  	_ =	shalt  }
0x42: {  	_ =	shalt  }
0x43: {  	_ =	shalt  }
0x44: {  	_ =	shalt  }
0x45: {  	_ =	shalt  }
0x46: {  	_ =	shalt  }
0x47: {  	_ =	shalt  }
0x48: {  	_ =	shalt  }
0x49: {  	_ =	shalt  }
0x4a: {  	_ =	shalt  }
0x4b: {  	_ =	shalt  }
0x4c: {  	_ =	shalt  }
0x4d: {  	_ =	shalt  }
0x4e: {  	_ =	shalt  }
0x4f: {  	_ =	shalt  }
0x50: {  	_ =	shalt  }
0x51: {  	_ =	shalt  }
0x52: {  	_ =	shalt  }
0x53: {  	_ =	shalt  }
0x54: {  	_ =	shalt  }
0x55: {  	_ =	shalt  }
0x56: {  	_ =	shalt  }
0x57: {  	_ =	shalt  }
0x58: {  	_ =	shalt  }
0x59: {  	_ =	shalt  }
0x5a: {  	_ =	shalt  }
0x5b: {  	_ =	shalt  }
0x5c: {  	_ =	shalt  }
0x5d: {  	_ =	shalt  }
0x5e: {  	_ =	shalt  }
0x5f: {  	_ =	shalt  }
0x60: {  	_ =	shalt  }
0x61: {  	_ =	shalt  }
0x62: {  	_ =	shalt  }
0x63: {  	_ =	shalt  }
0x64: {  	_ =	shalt  }
0x65: {  	_ =	shalt  }
0x66: {  	_ =	shalt  }
0x67: {  	_ =	shalt  }
0x68: {  	_ =	shalt  }
0x69: {  	_ =	shalt  }
0x6a: {  	_ =	shalt  }
0x6b: {  	_ =	shalt  }
0x6c: {  	_ =	shalt  }
0x6d: {  	_ =	shalt  }
0x6e: {  	_ =	shalt  }
0x6f: {  	_ =	shalt  }
0x70: {  	_ =	shalt  }
0x71: {  	_ =	shalt  }
0x72: {  	_ =	shalt  }
0x73: {  	_ =	shalt  }
0x74: {  	_ =	shalt  }
0x75: {  	_ =	shalt  }
0x76: {  	_ =	shalt  }
0x77: {  	_ =	shalt  }
0x78: {  	_ =	shalt  }
0x79: {  	_ =	shalt  }
0x7a: {  	_ =	shalt  }
0x7b: {  	_ =	shalt  }
0x7c: {  	_ =	shalt  }
0x7d: {  	_ =	shalt  }
0x7e: {  	_ =	shalt  }
0x7f: {  	_ =	shalt  }
0x80: {  	_ =	shalt  }
0x81: {  	_ =	shalt  }
0x82: {  	_ =	shalt  }
0x83: {  	_ =	shalt  }
0x84: {  	_ =	shalt  }
0x85: {  	_ =	shalt  }
0x86: {  	_ =	shalt  }
0x87: {  	_ =	shalt  }
.Lfunc_end0:
.L_simem_size_0:
called_computation_lowered:
.L_overlay_start_0:
0x88: {  	s2 =	sld [smem:$0x3FD9]  }
0x89: {  	s3 =	sld [smem:$0x3FFE];
	_ =	sdelay $0x1  }
0x8a: {  	s1 =	srdreg.scid  }
0x8b: {  	s0 =	sand.u32 $0x1, s1  }
0x8c: {  	s17 =	sshll.u32 s0, $0xA;
	s2 =	sadd.s32 s3, s2  }
0x8d: {  	s2 =	sadd.s32 s2, s17  }
0x8e: {  	[smem:$0x3FC3] =	sst s2  }
0x8f: {  	_ = 	snop  }
0x90: {  	s2 =	sld [smem:$0x3FC8]  }
0x91: {  	s18 =	sld [smem:$0x3FD0];
	(tm) =	ssettm $0x1  }
0x92: {  	s4 =	sld [smem:$0x3FFB];
	_ =	sdelay $0x3  }
0x93: {  	_ =	strace s4  }
0x94: {  	s4 =	sld [smem:$0x3FFC];
	_ =	sdelay $0x3  }
0x95: {  	_ =	strace s4  }
0x96: {  	s4 =	sld [smem:$0x3FFD];
	_ =	sdelay $0x3  }
0x97: {  	_ =	strace s4  }
0x98: {  	_ =	strace $0x8FFFFFFF  }
0x99: {  	s19 =	sld [smem:$0x3FDB];
	_ =	sdelay $0x1  }
0x9a: {  	s5 =	simm.s32 $_scs_section_size  }
0x9b: {  	s6 =	simm.s32 $_size__tile_overlayer_lowered;
	s7 =	simm.s32 $_tile_overlayer_lowered  }
0x9c: {  	s22 =	simm.s32 $0x1BFF;
	s21 =	sshll.u32 s7, $0x1;
	s4 =	sadd.s32 s5, s19  }
0x9d: {  	s8 =	simm.s32 $0x0;
	s20 =	sshll.u32 s6, $0x1;
	s6 =	sadd.s32 s21, s4  }
0x9e: {  	[timem:s8], [sflag:s22] =	dma.local [hbm:s6], s20  }
0x9f: {  	_ =	swait.ge [sflag:s22], s20  }
0xa0: {  	s5 =	ssub.s32 $0x0, s20;
	[sflag:s22] =	ssyncset.done $0x0  }
0xa1: {  	[sflag:s22] =	ssyncadd.s32 s5;
	_ =	sdelay $0x1  }
0xa2: {  	s23 =	simm.s32 $0x1B8B  }
0xa3: {  	_ =	swait.ge [sflag:s23], $0x1  }
0xa4: {  	[sflag:s23] =	ssyncset.done $0x0  }
0xa5: {  	s25 =	simm.s32 $0x1B8E;
	s24 =	sld [smem:$0x3FFE];
	[sflag:s23] =	ssyncadd.s32 $0xFFFFFFFF  }
0xa6: {  	s26 =	simm.s32 $execute0_lowered;
	[smem:$0x3FD2] =	sst s25  }
0xa7: {  	s6 =	sshll.u32 s26, $0x1;
	_ =	strace $0x80000046;
	[dreg:$0x1] =	wrdreg $0xFFFFFFFF  }
0xa8: {  	s28 =	simm.s32 $_size_execute0_lowered;
	s4 =	sadd.s32 s4, s6;
	[dreg:$0x0] =	wrdreg $0x0  }
0xa9: {  	s6 =	sshll.u32 s28, $0x1;
	[dreg:$0x2] =	wrdreg s4  }
0xaa: {  	[dreg:$0x3] =	wrdreg s6  }
0xab: {  	[dreg:$0x4] =	wrdreg $0xC0  }
0xac: {  	_ =	task [dreg:s8], $0x5FFFF  }
0xad: {  	[dreg:$0x1] =	wrdreg $0xFFFFFFFF  }
0xae: {  	[dreg:$0x0] =	wrdreg $0x60  }
0xaf: {  	[dreg:$0x2] =	wrdreg s18  }
0xb0: {  	[dreg:$0x3] =	wrdreg s2  }
0xb1: {  	[dreg:$0x4] =	wrdreg s24  }
0xb2: {  	[dreg:$0x5] =	wrdreg $0x8A000  }
0xb3: {  	[dreg:$0x6] =	wrdreg $0x9  }
0xb4: {  	_ =	task.clear_ibuf [dreg:s8], $0x7FFFF;
	_ =	strace $0x90000046  }
0xb5: {  	s29 =	simm.s32 $0x9;
	_ =	strace $0x80000048  }
0xb6: {  	_ =	swait.ge [sflag:s29], $0x1  }
0xb7: {  	[sflag:s29] =	ssyncadd.s32 $0xFFFFFFFF  }
0xb8: {  	_ =	strace $0x90000048  }
0xb9: {  	_ =	sfence  }
0xba: {  	s30 =	sld [smem:$0x0];
	_ =	sdelay $0x2  }
0xbb: {  	s31 =	sshll.u32 s1, $0xD;
	s1 =	sshrl.u32 s1, $0x2  }
0xbc: {  	s3 =	sand.u32 $0x4000, s31;
	s1 =	sadd.s32 s1, s30  }
0xbd: {  	s0 =	sor.u32 s3, s0;
	s1 =	sshll.u32 s1, $0x11  }
0xbe: {  	s0 =	sor.u32 s1, s0  }
0xbf: {  	s0 =	sadd.s32 $0x8F2B, s0  }
0xc0: {  	[sflag:s0] =	ssyncadd.remote.s32 $0x1  }
0xc1: {  	_ =	sfence.sel $0xFFFF  }
0xc2: {  	[dreg:$0x0] =	wrdreg $0xFFFFFFFF;
	(pc) =	sbr.abs _section_cstart, $3  }
0xc3: {  	[dreg:$0x1] =	wrdreg $0xFFFFFFFF  }
0xc4: {  	_ =	task.clear_ibuf [dreg:s8], $0x2FFFF;
	_ =	strace $0x9FFFFFFF  }
0xc5: {  	(tm) =	ssettm $0x7FFFFFFF  }
tec
execute0_lowered:
.L_overlay_start_1:
0x0: {  	(tag) =	ssettag $0x1  }
0x1: {  	s1 =	rddreg [dreg:$0x0]  }
0x2: {  	s0 =	rddreg [dreg:$0x1]  }
0x3: {  	s4 =	rddreg [dreg:$0x2]  }
0x4: {  	s2 =	rddreg [dreg:$0x3];
	s3 =	simm.s32 $0x0  }
0x5: {  	s5 =	srdreg.scid;
	s18 =	stileid.u32;
	s6 =	simm.s32 $0x4F  }
0x6: {  	s12 =	simm.s32 $0x4D;
	s19 =	simm.s32 $0x40;
	s22 =	simm.s32 $0x8200  }
0x7: {  	s23 =	simm.s32 $0x1;
	s24 =	simm.s32 $0x2;
	s26 =	simm.s32 $0x80  }
0x8: {  	s28 =	simm.s32 $0x0;
	[smem:$0x7FF] =	sst s3;
	s10 =	sand.u32 $0x1, s5  }
0x9: {  	s4 =	sadd.s32 $0xE00, s4;
	s5 =	sshll.u32 s18, $0x6;
	s11 =	smul.u32 $0x4E000, s18  }
0xa: {  	p0 =	slt.u32 s18, $0x2;
	p1 =	seq.s32 s18, $0xF;
	s14 =	smul.u32 $0x13800, s18  }
0xb: {  	_ =	strace $0x80000047;
	s7 =	ssub.s32 $0x2, s10;
	s15 =	sshll.u32 s10, $0x5  }
0xc: {  	s6 =	simm.s32 @!p0 $0x4E;
	s13 =	smul.u32 $0x138800, s10;
	s10 =	simm.s32 $0x4E  }
0xd: {  	s12 =	simm.s32 @!p0 $0x4C;
	s8 =	sshrl.u32 s7, $0x1;
	s9 =	sor.u32 s15, s5  }
0xe: {  	s11 =	sshrl.u32 s11, $0x2;
	s10 =	simm.s32 @!p0 $0x4D;
	p0 =	sne.s32 s18, $0xF  }
0xf: {  	s16 =	ssub.s32 s7, s8;
	s31 =	sadd.s32 s0, s9;
	s8 =	simm.s32 $0x28  }
0x10: {  	s11 =	sadd.s32 s11, s2;
	s14 =	sadd.s32 s14, s13;
	s13 =	sshrl.u32 s13, $0x3  }
0x11: {  	s0 =	sadd.s32 s5, s0;
	[dreg:$0x5] =	wrdreg s31;
	s7 =	sadd.s32 $0x400, s31  }
0x12: {  	s8 =	simm.s32 @!p1 $0x27;
	s14 =	sshrl.u32 s14, $0x3;
	s17 =	sadd.s32 s4, s13  }
0x13: {  	s0 =	sadd.s32 s15, s0;
	s15 =	smax.u32 s16, $0x1;
	[dreg:$0x6] =	wrdreg s7  }
0x14: {  	s13 =	sadd.s32 s4, s14;
	s14 =	sadd.s32 $0x27000, s17;
	s4 =	sadd.s32 $0x138000, s2  }
0x15: {  	v0 =	vimm.f32 $0.0e+00;
	s16 =	sadd.s32 $0x800, s0;
	s17 =	simm.s32 $0x4;
	s25 =	sshrl.u32 @!p0 s4, $0x3  }
.LBB2_1:
0x16: {  	s0 =	rddreg [dreg:$0x5]  }
0x17: {  	[tilespmem:s3], [sflag:$0x4] =	stream.linear.gather [hbm4b:s0+s3], $0x100, $0x38;
	[tilespmem:$0x1C280] =	vst v63  }
0x18: {  	_ =	swait.ge [sflag:s17], $0x100  }
0x19: {  	[sflag:s17] =	ssyncset.done $0x0  }
0x1a: {  	s4 =	simm.s32 $0x100;
	s21 =	rddreg [dreg:$0x6];
	[sflag:s17] =	ssyncadd.s32 $0xFFFFFF00  }
0x1b: {  	[tilespmem:s4], [sflag:$0x3] =	stream.linear.gather [hbm4b:s21+s3], $0x100, $0x38;
	[tilespmem:$0x1C280] =	vst v63  }
0x1c: {  	s30 =	simm.s32 $0x200  }
0x1d: {  	[tilespmem:s30], [sflag:$0x1] =	stream.indirect.gather [hbm4b:s1+s19], $0x80, s3, s19, $0xb8;
	[tilespmem:$0x1C280] =	vst v63  }
0x1e: {  	s31 =	simm.s32 $0x2200;
	s29 =	simm.s32 $0x200;
	s0 =	simm.s32 $0x0  }
0x1f: {  	[tilespmem:s31], [sflag:$0x2] =	stream.indirect.gather [hbm4b:s1+s19], $0x80, s19, s19, $0xb8;
	[tilespmem:$0x1C280] =	vst v63  }
.LBB2_2:
0x20: {  	p1 =	sne.s32 s29, $0x1E00;
	[tilespmem:s0+$0x8270] =	vst v0  }
0x21: {  	[tilespmem:s0+$0x8200] =	vst v0  }
0x22: {  	[tilespmem:s0+$0x8210] =	vst v0  }
.Ltmp0:
0x23: {  	[tilespmem:s0+$0x8220] =	vst v0;
	(pc) =	sbr.rel @p1 .LBB2_2-.Ltmp0, $4  }
0x24: {  	[tilespmem:s0+$0x8230] =	vst v0  }
0x25: {  	[tilespmem:s0+$0x8240] =	vst v0  }
0x26: {  	[tilespmem:s0+$0x8250] =	vst v0  }
0x27: {  	[tilespmem:s0+$0x8260] =	vst v0;
	s0 =	sshra.s32 s29, $0x2;
	s29 =	sadd.s32 $0x200, s29  }
0x28: {  	[tilespmem:s0+$0x8270] =	vst v0  }
0x29: {  	[tilespmem:s0+$0x8200] =	vst v0  }
0x2a: {  	[tilespmem:s0+$0x8210] =	vst v0  }
0x2b: {  	[tilespmem:s0+$0x8220] =	vst v0  }
0x2c: {  	[tilespmem:s0+$0x8230] =	vst v0  }
0x2d: {  	[tilespmem:s0+$0x8240] =	vst v0;
	p1 =	sne.s32 s8, $0x1  }
.Ltmp1:
0x2e: {  	[tilespmem:s0+$0x8250] =	vst v0;
	(pc) =	sbr.rel @!p1 .LBB2_5-.Ltmp1, $4  }
0x2f: {  	[tilespmem:s0+$0x8260] =	vst v0  }
0x30: {  	[spmem:s11] =	stream.linear.scatter [tilespmem:s22], [sflag:$0x4], $0x800, $0x38;
	[tilespmem:$0x1C280] =	vst v63  }
0x31: {  	_ =	swait.ge [sflag:s17], $0x800  }
0x32: {  	s0 =	sadd.s32 $0xFFFFFFFF, s8;
	s29 =	smov.u32 s11;
	[sflag:s17] =	ssyncset.done $0x0  }
.LBB2_4:
0x33: {  	p1 =	sne.s32 s0, $0x1;
	[sflag:s17] =	ssyncadd.s32 $0xFFFFF800;
	s29 =	sadd.s32 $0x800, s29  }
.Ltmp2:
0x34: {  	s0 =	sadd.s32 $0xFFFFFFFF, s0;
	(pc) =	sbr.rel @p1 .LBB2_4-.Ltmp2, $4  }
0x35: {  	_ = 	snop  }
0x36: {  	[spmem:s29] =	stream.linear.scatter [tilespmem:s22], [sflag:$0x4], $0x800, $0x38;
	[tilespmem:$0x1C280] =	vst v63  }
0x37: {  	_ =	swait.ge [sflag:s17], $0x800  }
0x38: {  	[sflag:s17] =	ssyncset.done $0x0  }
.LBB2_5:
0x39: {  	[sflag:s17] =	ssyncadd.s32 $0xFFFFF800  }
0x3a: {  	[bflag:$0x0] =	sbarrier.arrive $0xFFFF  }
0x3b: {  	_ =	swait.ge [sflag:s23], $0x2000  }
0x3c: {  	[sflag:s23] =	ssyncset.done $0x0  }
0x3d: {  	[sflag:s23] =	ssyncadd.s32 $0xFFFFE000  }
0x3e: {  	_ =	swait.ge [sflag:s24], $0x2000  }
0x3f: {  	s0 =	simm.s32 $0x0;
	p1 =	sle.u32 s10, $0x0;
	[sflag:s24] =	ssyncset.done $0x0  }
0x40: {  	s0 =	sand.u32 $0x1, s0;
	s29 =	simm.s32 @!p1 $0x3;
	[sflag:s24] =	ssyncadd.s32 $0xFFFFE000  }
0x41: {  	s4 =	sxor.u32 @!p1 $0x1, s0;
	_ =	swait.ge @!p1 [sflag:s29], $0x100  }
0x42: {  	s30 =	sshll.u32 @!p1 s4, $0xE;
	s4 =	sshll.u32 @!p1 s4, $0x8;
	[sflag:s29] =	ssyncset.done @!p1 $0x0  }
0x43: {  	s18 =	sor.u32 @!p1 $0x200, s30;
	[sflag:s29] =	ssyncadd.s32 @!p1 $0xFFFFFF00;
	s29 =	simm.s32 @!p1 $0x40  }
0x44: {  	[tilespmem:s18], [sflag:$0x1] =	stream.indirect.gather @!p1 [hbm4b:s1+s29], $0x80, s4, s29, $0xb8;
	[tilespmem:$0x1C280] =	vst v63  }
0x45: {  	s18 =	sor.u32 @!p1 $0x2200, s30;
	s4 =	sor.u32 @!p1 $0x40, s4  }
0x46: {  	[tilespmem:s18], [sflag:$0x2] =	stream.indirect.gather @!p1 [hbm4b:s1+s29], $0x80, s4, s29, $0xb8;
	[tilespmem:$0x1C280] =	vst v63  }
0x47: {  	s31 =	sshll.u32 s0, $0xE;
	s0 =	sshll.u32 s0, $0x8;
	p1 =	sne.s32 s6, $0x1  }
.Ltmp3:
0x48: {  	s20 =	sor.u32 $0x200, s31;
	s21 =	sor.u32 $0x80, s0;
	(pc) =	sbr.rel @!p1 .LBB2_7-.Ltmp3, $4  }
0x49: {  	[spmem:s2] =	stream.indirect.scatter.add.f32 [tilespmem:s20], [sflag:$0x4], $0x80, s21, s26, $0xb8;
	[tilespmem:$0x1C280] =	vst v63  }
0x4a: {  	p2 =	sle.u32 s12, $0x0;
	_ =	swait.ge [sflag:s17], $0x4000  }
0x4b: {  	s31 =	smov.u32 s16;
	s30 =	sadd.s32 $0x400, s16;
	[sflag:s17] =	ssyncset.done $0x0  }
0x4c: {  	s29 =	simm.s32 $0x1;
	s4 =	simm.s32 @!p2 $0x0;
	[sflag:s17] =	ssyncadd.s32 $0xFFFFC000  }
.LBB2_6:
0x4d: {  	[tilespmem:s0], [sflag:$0x3] =	stream.linear.gather @!p2 [hbm4b:s31+s4], $0x100, $0x38;
	[tilespmem:$0x1C280] =	vst v63  }
0x4e: {  	s4 =	smov.u32 s29;
	s29 =	sadd.s32 $0x1, s29;
	_ =	swait.ge [sflag:s23], $0x2000  }
0x4f: {  	s31 =	smov.u32 s30;
	p1 =	sne.s32 s6, s29;
	[sflag:s23] =	ssyncset.done $0x0  }
0x50: {  	[sflag:s23] =	ssyncadd.s32 $0xFFFFE000  }
0x51: {  	_ =	swait.ge [sflag:s24], $0x2000  }
0x52: {  	s0 =	sand.u32 $0x1, s4;
	p2 =	sge.u32 s4, s10;
	[sflag:s24] =	ssyncset.done $0x0  }
0x53: {  	s18 =	sxor.u32 @!p2 $0x1, s0;
	s20 =	simm.s32 @!p2 $0x3;
	[sflag:s24] =	ssyncadd.s32 $0xFFFFE000  }
0x54: {  	s9 =	sshll.u32 s0, $0xE;
	s21 =	sshll.u32 @!p2 s18, $0xE;
	_ =	swait.ge @!p2 [sflag:s20], $0x100  }
0x55: {  	s7 =	sor.u32 @!p2 $0x200, s21;
	s21 =	sor.u32 @!p2 $0x2200, s21;
	[sflag:s20] =	ssyncset.done @!p2 $0x0  }
0x56: {  	s18 =	sshll.u32 @!p2 s18, $0x8;
	[sflag:s20] =	ssyncadd.s32 @!p2 $0xFFFFFF00;
	s20 =	simm.s32 @!p2 $0x40  }
0x57: {  	[tilespmem:s7], [sflag:$0x1] =	stream.indirect.gather @!p2 [hbm4b:s1+s20], $0x80, s18, s20, $0xb8;
	[tilespmem:$0x1C280] =	vst v63  }
0x58: {  	s0 =	sshll.u32 s0, $0x8;
	s7 =	sor.u32 @!p2 $0x40, s18  }
0x59: {  	[tilespmem:s21], [sflag:$0x2] =	stream.indirect.gather @!p2 [hbm4b:s1+s20], $0x80, s7, s20, $0xb8;
	[tilespmem:$0x1C280] =	vst v63  }
.Ltmp4:
0x5a: {  	s7 =	sor.u32 $0x200, s9;
	s9 =	sor.u32 $0x80, s0;
	(pc) =	sbr.rel @p1 .LBB2_6-.Ltmp4, $4  }
0x5b: {  	[spmem:s2] =	stream.indirect.scatter.add.f32 [tilespmem:s7], [sflag:$0x4], $0x80, s9, s26, $0xb8;
	[tilespmem:$0x1C280] =	vst v63  }
0x5c: {  	_ =	swait.ge [sflag:s17], $0x4000  }
0x5d: {  	p2 =	sge.u32 s4, s12;
	[sflag:s17] =	ssyncset.done $0x0  }
0x5e: {  	s30 =	sadd.s32 $0x400, s30;
	s4 =	simm.s32 @!p2 $0x0;
	[sflag:s17] =	ssyncadd.s32 $0xFFFFC000  }
.LBB2_7:
0x5f: {  	[tilespmem:s0], [sflag:$0x3] =	stream.linear.gather @!p2 [hbm4b:s31+s4], $0x100, $0x38;
	[tilespmem:$0x1C280] =	vst v63  }
0x60: {  	s0 =	sor.u32 $0x1C04, s5;
	s31 =	sshrl.u32 s11, $0x3;
	[bflag:$0x0] =	sbarrier.arrive $0xFFFF  }
0x61: {  	[hbm:s13], [sflag:s0] =	dma.local [spmem:s31], $0x2700  }
0x62: {  	_ =	swait.ge [sflag:s17], $0x2700  }
0x63: {  	s28 =	sadd.s32 $0x1, s28;
	[sflag:s17] =	ssyncset.done $0x0  }
0x64: {  	p1 =	sne.s32 s28, s15;
	[sflag:s17] =	ssyncadd.s32 $0xFFFFD900  }
0x65: {  	[hbm:s14], [sflag:s0] =	dma.local @!p0 [spmem:s25], $0x100  }
.Ltmp5:
0x66: {  	_ = 	snop;
	(pc) =	sbr.rel @p1 .LBB2_1-.Ltmp5, $4  }
0x67: {  	s0 =	simm.s32 @!p0 $0x4  }
0x68: {  	_ =	swait.ge @!p0 [sflag:s0], $0x100  }
0x69: {  	[sflag:s0] =	ssyncset.done @!p0 $0x0  }
0x6a: {  	[sflag:s0] =	ssyncadd.s32 @!p0 $0xFFFFFF00  }
0x6b: {  	_ =	sfence.sel $0x180000  }
0x6c: {  	[bflag:$0x0] =	sbarrier.arrive $0xFFFF  }
0x6d: {  	_ =	strace $0x90000047  }
0x6e: {  	s0 =	stileid.u32;
	[bflag:$0x2] =	sbarrier.arrive $0xFFFF  }
0x6f: {  	p0 =	sne.s32 s0, $0x0;
	s0 =	rddreg [dreg:$0x4]  }
0x70: {  	s0 =	sadd.s32 @!p0 $0x100000, s0  }
0x71: {  	[sflag:s0] =	ssyncadd.tile.s32 @!p0 $0x1;
	_ =	shalt  }
.Lfunc_end2:
_tile_overlayer_lowered:
.L_overlay_start_2:
0x72: {  	(tag) =	ssettag $0x2  }
0x73: {  	s0 =	rddreg [dreg:$0x0];
	s2 =	stileid.u32  }
0x74: {  	s1 =	rddreg [dreg:$0x1];
	p0 =	sne.s32 s2, $0x0  }
0x75: {  	s3 =	rddreg [dreg:$0x2];
	[bflag:$0x3] =	sbarrier.arrive $0xFFFF;
	s2 =	simm.s32 @!p0 $0x1C04  }
0x76: {  	[timem:s3], [sflag:s2] =	dma.local @!p0 [hbm:s0], s1  }
0x77: {  	s0 =	simm.s32 @!p0 $0x4  }
0x78: {  	_ =	swait.ge @!p0 [sflag:s0], s1  }
0x79: {  	s1 =	ssub.s32 @!p0 $0x0, s1;
	[sflag:s0] =	ssyncset.done @!p0 $0x0  }
0x7a: {  	[sflag:s0] =	ssyncadd.s32 @!p0 s1  }
0x7b: {  	[bflag:$0x3] =	sbarrier.arrive $0xFFFF  }
0x7c: {  	_ =	shalt  }

</sc_bundles>
